<compile_context>
chip_gen: v7x
topology: tpu7x:2x2x1
jax: 0.10.2.dev20260603
libtpu: 0.0.44.dev20260713+nightly
codegen_flags: <defaults>
</compile_context>

<pallas_src>
import functools

import jax
import jax.numpy as jnp
from jax import lax
from jax.experimental import pallas as pl
from jax.experimental.pallas import tpu as pltpu
from jax.experimental.pallas import tpu_sc as plsc

_B = 256

_NC = 2
_NS = 16
_NW = _NC * _NS
_CHUNK = 128


def _sc_mesh():
    return plsc.VectorSubcoreMesh(core_axis_name="c", subcore_axis_name="s",
                                  num_cores=_NC, num_subcores=_NS)


@functools.cache
def _row_gather_kernel(n_rows, dim):
    per_w = n_rows // _NW
    n_chunks = per_w // _CHUNK

    @functools.partial(
        pl.kernel,
        out_type=jax.ShapeDtypeStruct((n_rows, dim), jnp.float32),
        mesh=_sc_mesh(),
        scratch_types=[
            pltpu.VMEM((_CHUNK,), jnp.int32),
            pltpu.VMEM((_CHUNK, dim), jnp.float32),
            pltpu.SemaphoreType.DMA,
        ],
    )
    def gather_k(table_hbm, idx_hbm, out_hbm, idx_v, rows_v, sem):
        wid = lax.axis_index("s") * _NC + lax.axis_index("c")
        for j in range(n_chunks):
            base = wid * per_w + j * _CHUNK
            pltpu.sync_copy(idx_hbm.at[pl.ds(base, _CHUNK)], idx_v)
            pltpu.async_copy(table_hbm.at[idx_v], rows_v, sem).wait()
            pltpu.sync_copy(rows_v, out_hbm.at[pl.ds(base, _CHUNK)])

    return gather_k


@functools.cache
def _row_scatter_kernel(n_rows, dim):
    per_w = n_rows // _NW
    n_chunks = per_w // _CHUNK

    @functools.partial(
        pl.kernel,
        out_type=jax.ShapeDtypeStruct((n_rows, dim), jnp.float32),
        mesh=_sc_mesh(),
        scratch_types=[
            pltpu.VMEM((_CHUNK,), jnp.int32),
            pltpu.VMEM((_CHUNK, dim), jnp.float32),
            pltpu.SemaphoreType.DMA,
        ],
    )
    def scatter_k(rows_hbm, idx_hbm, out_hbm, idx_v, rows_v, sem):
        wid = lax.axis_index("s") * _NC + lax.axis_index("c")
        for j in range(n_chunks):
            base = wid * per_w + j * _CHUNK
            pltpu.sync_copy(idx_hbm.at[pl.ds(base, _CHUNK)], idx_v)
            pltpu.sync_copy(rows_hbm.at[pl.ds(base, _CHUNK)], rows_v)
            pltpu.async_copy(rows_v, out_hbm.at[idx_v], sem).wait()

    return scatter_k


def _mlp_step(sg_ref, st_ref, off_ref, x_ref, w1_ref, b1_ref, w2_ref, b2_ref,
              o_ref):
    s = pl.program_id(0)
    g = sg_ref[s]
    t = st_ref[s]
    lo = off_ref[g]
    hi = off_ref[g + 1]
    x = x_ref[...]
    h = lax.dot_general(x, w1_ref[0], (((1,), (1,)), ((), ())),
                        preferred_element_type=jnp.float32)
    h = h + b1_ref[0]
    h = 0.5 * h * (1.0 + lax.erf(h * (2.0 ** -0.5)))
    o = lax.dot_general(h, w2_ref[0], (((1,), (1,)), ((), ())),
                        preferred_element_type=jnp.float32)
    o = o + b2_ref[0]
    row = t * _B + lax.broadcasted_iota(jnp.int32, (_B, 1), 0)
    mask = (row >= lo) & (row < hi)
    o_ref[...] = jnp.where(mask, o, o_ref[...])


def _grouped_mlp(x_sorted, offsets, step_g, step_t, W1, b1, W2, b2, *,
                 interpret=False):
    N, D_IN = x_sorted.shape
    Lp, D_HID, _ = W1.shape
    D_OUT = W2.shape[1]
    S = step_g.shape[0]
    grid_spec = pltpu.PrefetchScalarGridSpec(
        num_scalar_prefetch=3,
        grid=(S,),
        in_specs=[
            pl.BlockSpec((_B, D_IN), lambda s, sg, st, off: (st[s], 0)),
            pl.BlockSpec((1, D_HID, D_IN), lambda s, sg, st, off: (sg[s], 0, 0)),
            pl.BlockSpec((1, 1, D_HID), lambda s, sg, st, off: (sg[s], 0, 0)),
            pl.BlockSpec((1, D_OUT, D_HID), lambda s, sg, st, off: (sg[s], 0, 0)),
            pl.BlockSpec((1, 1, D_OUT), lambda s, sg, st, off: (sg[s], 0, 0)),
        ],
        out_specs=pl.BlockSpec((_B, D_OUT), lambda s, sg, st, off: (st[s], 0)),
    )
    return pl.pallas_call(
        _mlp_step,
        grid_spec=grid_spec,
        out_shape=jax.ShapeDtypeStruct((N, D_OUT), jnp.float32),
        compiler_params=pltpu.CompilerParams(
            dimension_semantics=("arbitrary",)),
        interpret=interpret,
    )(step_g, step_t, offsets, x_sorted, W1, b1[:, None, :], W2,
      b2[:, None, :])


_RANK_BLK = 128


def _routing(plane_idx, num_planes, num_tiles):
    n = plane_idx.shape[0]
    p32 = plane_idx.astype(jnp.int32)
    oh = (p32[:, None] == jnp.arange(num_planes, dtype=jnp.int32))
    ohf = oh.astype(jnp.float32)
    ohb = ohf.reshape(n // _RANK_BLK, _RANK_BLK, num_planes)
    tri = jnp.tril(jnp.ones((_RANK_BLK, _RANK_BLK), jnp.float32))
    rin = jnp.einsum("ij,bjp->bip", tri, ohb)
    bc = rin[:, -1, :]
    nblk = bc.shape[0]
    tri2 = jnp.tril(jnp.ones((nblk, nblk), jnp.float32), k=-1)
    bpre = tri2 @ bc
    rank = (rin + bpre[:, None, :]).reshape(n, num_planes)
    counts = bc.sum(axis=0).astype(jnp.int32)
    offsets = jnp.concatenate(
        [jnp.zeros((1,), jnp.int32),
         jnp.cumsum(counts).astype(jnp.int32)])
    rank_i = jnp.sum(jnp.where(oh, rank.astype(jnp.int32), 0), axis=1)
    off_i = jnp.sum(jnp.where(oh, offsets[None, :num_planes], 0), axis=1)
    pos = off_i + rank_i - 1
    t_start = offsets[:num_planes] // _B
    t_end = jnp.maximum(offsets[1:] - 1, 0) // _B
    nsteps = jnp.where(counts > 0, t_end - t_start + 1, 0).astype(jnp.int32)
    cum = jnp.cumsum(nsteps)
    first = cum - nsteps
    total = cum[-1]
    S = num_tiles + num_planes - 1
    s_idx = jnp.arange(S, dtype=jnp.int32)
    g_raw = jnp.searchsorted(cum, s_idx, side="right").astype(jnp.int32)
    real = s_idx < total
    g_last = jnp.searchsorted(cum, total - 1, side="right").astype(jnp.int32)
    g = jnp.where(real, jnp.minimum(g_raw, num_planes - 1), g_last)
    t = jnp.where(real, t_start[g] + s_idx - first[g],
                  num_tiles - 1).astype(jnp.int32)
    return pos, offsets, g, t


def kernel(x, plane_idx, W1, b1, W2, b2):
    N, D_IN = x.shape
    Lp = W1.shape[0]
    D_OUT = W2.shape[1]
    T = N // _B
    pos, offsets, step_g, step_t = _routing(plane_idx, Lp, T)
    x_sorted = _row_scatter_kernel(N, D_IN)(x, pos)
    out_sorted = _grouped_mlp(x_sorted, offsets, step_g, step_t,
                              W1, b1, W2, b2)
    return _row_gather_kernel(N, D_OUT)(out_sorted, pos)

# --- scband reference (transcript-rebuilt; emitter-appended) ---
"""Pipeline reference for scband-per-plane-mlp-46918222741858 (READ-ONLY COPY).

The authoritative reference and input builder live on the scoring server;
editing this copy changes nothing except your own understanding.
"""

import jax, jax.numpy as jnp
import numpy as np

L = 64
D_IN = 768
D_HID = 768
D_OUT = 768
N = 8192


def setup_inputs(seed: int = 0) -> dict:
    key = jax.random.key(seed)
    k1, k2, k3, k4 = jax.random.split(key, 4)
    x = jax.random.normal(k1, (N, D_IN), dtype=jnp.float32)
    plane_idx = jax.random.randint(k2, (N,), 0, L, dtype=jnp.int32)
    W1 = jax.random.normal(k3, (L, D_HID, D_IN), dtype=jnp.float32) * 0.014
    b1 = jnp.zeros((L, D_HID), dtype=jnp.float32)
    W2 = jax.random.normal(k4, (L, D_OUT, D_HID), dtype=jnp.float32) * ((2.0 / D_HID) ** 0.5)
    b2 = jnp.zeros((L, D_OUT), dtype=jnp.float32)
    return {"x": x, "plane_idx": plane_idx, "W1": W1, "b1": b1, "W2": W2, "b2": b2}


def reference(x, plane_idx, W1, b1, W2, b2):
    # Faithful translation of PerPlaneMLP.forward: segment-matmul per plane.
    out = jnp.zeros((x.shape[0], W2.shape[1]), dtype=x.dtype)
    for p in range(L):
        h_p = x @ W1[p].T + b1[p]
        h_p = jax.nn.gelu(h_p, approximate=False)      # torch F.gelu default = exact erf
        o_p = h_p @ W2[p].T + b2[p]
        mask = (plane_idx == p)[:, None]
        out = jnp.where(mask, o_p, out)
    return out

if __name__ == "__main__":
    import jax
    _d = setup_inputs()
    print(jax.jit(kernel)(*tuple(_d.values())))

</pallas_src>

<mosaic_0001>
#map = affine_map<(d0, d1) -> (0, 0)>
#map1 = affine_map<(d0, d1) -> (0)>
module attributes {stable_mosaic.version = 14 : i64} {
  func.func @scatter_k(%arg0: i32, %arg1: i32, %arg2: memref<8192x768xf32, #tpu.memory_space<hbm>>, %arg3: memref<8192xi32, #tpu.memory_space<hbm>>, %arg4: memref<8192x768xf32, #tpu.memory_space<hbm>>, %arg5: memref<128xi32, #tpu.memory_space<vmem>>, %arg6: memref<128x768xf32, #tpu.memory_space<vmem>>, %arg7: memref<!tpu.dma_semaphore, #tpu.memory_space<semaphore_mem>>) attributes {dimension_semantics = [#tpu.dimension_semantics<core_parallel>, #tpu.dimension_semantics<subcore_parallel>], iteration_bounds = array<i64: 2, 16>, scalar_prefetch = 0 : i64, scratch_operands = 3 : i64, tpu.core_type = #tpu.core_type<sc_vector_subcore>, window_params = [{transform_indices = #map}, {transform_indices = #map1}, {transform_indices = #map}]} {
    %mul3A = arith.constant 2 : i32
    %mul3A_0 = arith.muli %arg1, %mul3A : i32
    %add3A = arith.addi %mul3A_0, %arg0 : i32
    %mul3A_1 = arith.constant 256 : i32
    %mul3A_2 = arith.muli %add3A, %mul3A_1 : i32
    %add3A_3 = arith.constant 0 : i32
    %add3A_4 = arith.addi %mul3A_2, %add3A_3 : i32
    "tpu.region"() ({
      %run_scoped3A = tpu.sem_alloc : memref<!tpu.dma_semaphore, #tpu.memory_space<semaphore_mem>>
      %dma_start3A_19 = tpu.memref_slice %arg3[%add3A_4] : memref<8192xi32, #tpu.memory_space<hbm>> -> memref<128xi32, #tpu.memory_space<hbm>>
      %dma_start3A_20 = tpu.memref_slice %arg3[%add3A_4] : memref<8192xi32, #tpu.memory_space<hbm>> -> memref<128xi32, #tpu.memory_space<hbm>>
      tpu.enqueue_dma source(%dma_start3A_20 : memref<128xi32, #tpu.memory_space<hbm>>) target(%arg5 : memref<128xi32, #tpu.memory_space<vmem>>) target_semaphore(%run_scoped3A : memref<!tpu.dma_semaphore, #tpu.memory_space<semaphore_mem>>)
      %dma_wait3A_21 = tpu.memref_slice %arg3[%add3A_4] : memref<8192xi32, #tpu.memory_space<hbm>> -> memref<128xi32, #tpu.memory_space<hbm>>
      %dma_wait3A_22 = tpu.memref_slice %arg3[%add3A_4] : memref<8192xi32, #tpu.memory_space<hbm>> -> memref<128xi32, #tpu.memory_space<hbm>>
      tpu.wait_dma2 semaphore(%run_scoped3A : memref<!tpu.dma_semaphore, #tpu.memory_space<semaphore_mem>>) src(%dma_wait3A_22 : memref<128xi32, #tpu.memory_space<hbm>>) dst(%arg5 : memref<128xi32, #tpu.memory_space<vmem>>)
      tpu.yield
    }) : () -> ()
    "tpu.region"() ({
      %run_scoped3A = tpu.sem_alloc : memref<!tpu.dma_semaphore, #tpu.memory_space<semaphore_mem>>
      %dma_start3A_19 = arith.constant 0 : i32
      %dma_start3A_20 = tpu.memref_slice %arg2[%add3A_4, %dma_start3A_19] : memref<8192x768xf32, #tpu.memory_space<hbm>> -> memref<128x768xf32, #tpu.memory_space<hbm>>
      %dma_start3A_21 = arith.constant 0 : i32
      %dma_start3A_22 = tpu.memref_slice %arg2[%add3A_4, %dma_start3A_21] : memref<8192x768xf32, #tpu.memory_space<hbm>> -> memref<128x768xf32, #tpu.memory_space<hbm>>
      tpu.enqueue_dma source(%dma_start3A_22 : memref<128x768xf32, #tpu.memory_space<hbm>>) target(%arg6 : memref<128x768xf32, #tpu.memory_space<vmem>>) target_semaphore(%run_scoped3A : memref<!tpu.dma_semaphore, #tpu.memory_space<semaphore_mem>>)
      %dma_wait3A_23 = arith.constant 0 : i32
      %dma_wait3A_24 = tpu.memref_slice %arg2[%add3A_4, %dma_wait3A_23] : memref<8192x768xf32, #tpu.memory_space<hbm>> -> memref<128x768xf32, #tpu.memory_space<hbm>>
      %dma_wait3A_25 = arith.constant 0 : i32
      %dma_wait3A_26 = tpu.memref_slice %arg2[%add3A_4, %dma_wait3A_25] : memref<8192x768xf32, #tpu.memory_space<hbm>> -> memref<128x768xf32, #tpu.memory_space<hbm>>
      tpu.wait_dma2 semaphore(%run_scoped3A : memref<!tpu.dma_semaphore, #tpu.memory_space<semaphore_mem>>) src(%dma_wait3A_26 : memref<128x768xf32, #tpu.memory_space<hbm>>) dst(%arg6 : memref<128x768xf32, #tpu.memory_space<vmem>>)
      tpu.yield
    }) : () -> ()
    %dma_start3A = arith.constant 0 : i32
    %dma_start3A_5 = arith.constant 0 : i32
    %dma_start3A_6 = tpu.memref_slice %arg4[%dma_start3A, %dma_start3A_5] : memref<8192x768xf32, #tpu.memory_space<hbm>> -> memref<8192x768xf32, #tpu.memory_space<hbm>>
    tpu.enqueue_indirect_dma source(%arg6 : memref<128x768xf32, #tpu.memory_space<vmem>>) target(%dma_start3A_6 : memref<8192x768xf32, #tpu.memory_space<hbm>>) offsets(%arg5 : memref<128xi32, #tpu.memory_space<vmem>>) semaphore(%arg7 : memref<!tpu.dma_semaphore, #tpu.memory_space<semaphore_mem>>)
    %dma_wait3A = arith.constant 0 : i32
    %dma_wait3A_7 = arith.constant 0 : i32
    %dma_wait3A_8 = tpu.memref_slice %arg4[%dma_wait3A, %dma_wait3A_7] : memref<8192x768xf32, #tpu.memory_space<hbm>> -> memref<8192x768xf32, #tpu.memory_space<hbm>>
    tpu.wait_indirect_dma semaphore(%arg7 : memref<!tpu.dma_semaphore, #tpu.memory_space<semaphore_mem>>) src(%arg6 : memref<128x768xf32, #tpu.memory_space<vmem>>) dst(%dma_wait3A_8 : memref<8192x768xf32, #tpu.memory_space<hbm>>)
    %mul3A_9 = arith.constant 256 : i32
    %mul3A_10 = arith.muli %add3A, %mul3A_9 : i32
    %add3A_11 = arith.constant 128 : i32
    %add3A_12 = arith.addi %mul3A_10, %add3A_11 : i32
    "tpu.region"() ({
      %run_scoped3A = tpu.sem_alloc : memref<!tpu.dma_semaphore, #tpu.memory_space<semaphore_mem>>
      %dma_start3A_19 = tpu.memref_slice %arg3[%add3A_12] : memref<8192xi32, #tpu.memory_space<hbm>> -> memref<128xi32, #tpu.memory_space<hbm>>
      %dma_start3A_20 = tpu.memref_slice %arg3[%add3A_12] : memref<8192xi32, #tpu.memory_space<hbm>> -> memref<128xi32, #tpu.memory_space<hbm>>
      tpu.enqueue_dma source(%dma_start3A_20 : memref<128xi32, #tpu.memory_space<hbm>>) target(%arg5 : memref<128xi32, #tpu.memory_space<vmem>>) target_semaphore(%run_scoped3A : memref<!tpu.dma_semaphore, #tpu.memory_space<semaphore_mem>>)
      %dma_wait3A_21 = tpu.memref_slice %arg3[%add3A_12] : memref<8192xi32, #tpu.memory_space<hbm>> -> memref<128xi32, #tpu.memory_space<hbm>>
      %dma_wait3A_22 = tpu.memref_slice %arg3[%add3A_12] : memref<8192xi32, #tpu.memory_space<hbm>> -> memref<128xi32, #tpu.memory_space<hbm>>
      tpu.wait_dma2 semaphore(%run_scoped3A : memref<!tpu.dma_semaphore, #tpu.memory_space<semaphore_mem>>) src(%dma_wait3A_22 : memref<128xi32, #tpu.memory_space<hbm>>) dst(%arg5 : memref<128xi32, #tpu.memory_space<vmem>>)
      tpu.yield
    }) : () -> ()
    "tpu.region"() ({
      %run_scoped3A = tpu.sem_alloc : memref<!tpu.dma_semaphore, #tpu.memory_space<semaphore_mem>>
      %dma_start3A_19 = arith.constant 0 : i32
      %dma_start3A_20 = tpu.memref_slice %arg2[%add3A_12, %dma_start3A_19] : memref<8192x768xf32, #tpu.memory_space<hbm>> -> memref<128x768xf32, #tpu.memory_space<hbm>>
      %dma_start3A_21 = arith.constant 0 : i32
      %dma_start3A_22 = tpu.memref_slice %arg2[%add3A_12, %dma_start3A_21] : memref<8192x768xf32, #tpu.memory_space<hbm>> -> memref<128x768xf32, #tpu.memory_space<hbm>>
      tpu.enqueue_dma source(%dma_start3A_22 : memref<128x768xf32, #tpu.memory_space<hbm>>) target(%arg6 : memref<128x768xf32, #tpu.memory_space<vmem>>) target_semaphore(%run_scoped3A : memref<!tpu.dma_semaphore, #tpu.memory_space<semaphore_mem>>)
      %dma_wait3A_23 = arith.constant 0 : i32
      %dma_wait3A_24 = tpu.memref_slice %arg2[%add3A_12, %dma_wait3A_23] : memref<8192x768xf32, #tpu.memory_space<hbm>> -> memref<128x768xf32, #tpu.memory_space<hbm>>
      %dma_wait3A_25 = arith.constant 0 : i32
      %dma_wait3A_26 = tpu.memref_slice %arg2[%add3A_12, %dma_wait3A_25] : memref<8192x768xf32, #tpu.memory_space<hbm>> -> memref<128x768xf32, #tpu.memory_space<hbm>>
      tpu.wait_dma2 semaphore(%run_scoped3A : memref<!tpu.dma_semaphore, #tpu.memory_space<semaphore_mem>>) src(%dma_wait3A_26 : memref<128x768xf32, #tpu.memory_space<hbm>>) dst(%arg6 : memref<128x768xf32, #tpu.memory_space<vmem>>)
      tpu.yield
    }) : () -> ()
    %dma_start3A_13 = arith.constant 0 : i32
    %dma_start3A_14 = arith.constant 0 : i32
    %dma_start3A_15 = tpu.memref_slice %arg4[%dma_start3A_13, %dma_start3A_14] : memref<8192x768xf32, #tpu.memory_space<hbm>> -> memref<8192x768xf32, #tpu.memory_space<hbm>>
    tpu.enqueue_indirect_dma source(%arg6 : memref<128x768xf32, #tpu.memory_space<vmem>>) target(%dma_start3A_15 : memref<8192x768xf32, #tpu.memory_space<hbm>>) offsets(%arg5 : memref<128xi32, #tpu.memory_space<vmem>>) semaphore(%arg7 : memref<!tpu.dma_semaphore, #tpu.memory_space<semaphore_mem>>)
    %dma_wait3A_16 = arith.constant 0 : i32
    %dma_wait3A_17 = arith.constant 0 : i32
    %dma_wait3A_18 = tpu.memref_slice %arg4[%dma_wait3A_16, %dma_wait3A_17] : memref<8192x768xf32, #tpu.memory_space<hbm>> -> memref<8192x768xf32, #tpu.memory_space<hbm>>
    tpu.wait_indirect_dma semaphore(%arg7 : memref<!tpu.dma_semaphore, #tpu.memory_space<semaphore_mem>>) src(%arg6 : memref<128x768xf32, #tpu.memory_space<vmem>>) dst(%dma_wait3A_18 : memref<8192x768xf32, #tpu.memory_space<hbm>>)
    return
  }
}

#map = affine_map<(d0, d1) -> (0, 0)>
#map1 = affine_map<(d0, d1) -> (0)>
module attributes {stable_mosaic.version = 14 : i64} {
  func.func @gather_k(%arg0: i32, %arg1: i32, %arg2: memref<8192x768xf32, #tpu.memory_space<hbm>>, %arg3: memref<8192xi32, #tpu.memory_space<hbm>>, %arg4: memref<8192x768xf32, #tpu.memory_space<hbm>>, %arg5: memref<128xi32, #tpu.memory_space<vmem>>, %arg6: memref<128x768xf32, #tpu.memory_space<vmem>>, %arg7: memref<!tpu.dma_semaphore, #tpu.memory_space<semaphore_mem>>) attributes {dimension_semantics = [#tpu.dimension_semantics<core_parallel>, #tpu.dimension_semantics<subcore_parallel>], iteration_bounds = array<i64: 2, 16>, scalar_prefetch = 0 : i64, scratch_operands = 3 : i64, tpu.core_type = #tpu.core_type<sc_vector_subcore>, window_params = [{transform_indices = #map}, {transform_indices = #map1}, {transform_indices = #map}]} {
    %mul3A = arith.constant 2 : i32
    %mul3A_0 = arith.muli %arg1, %mul3A : i32
    %add3A = arith.addi %mul3A_0, %arg0 : i32
    %mul3A_1 = arith.constant 256 : i32
    %mul3A_2 = arith.muli %add3A, %mul3A_1 : i32
    %add3A_3 = arith.constant 0 : i32
    %add3A_4 = arith.addi %mul3A_2, %add3A_3 : i32
    "tpu.region"() ({
      %run_scoped3A = tpu.sem_alloc : memref<!tpu.dma_semaphore, #tpu.memory_space<semaphore_mem>>
      %dma_start3A_19 = tpu.memref_slice %arg3[%add3A_4] : memref<8192xi32, #tpu.memory_space<hbm>> -> memref<128xi32, #tpu.memory_space<hbm>>
      %dma_start3A_20 = tpu.memref_slice %arg3[%add3A_4] : memref<8192xi32, #tpu.memory_space<hbm>> -> memref<128xi32, #tpu.memory_space<hbm>>
      tpu.enqueue_dma source(%dma_start3A_20 : memref<128xi32, #tpu.memory_space<hbm>>) target(%arg5 : memref<128xi32, #tpu.memory_space<vmem>>) target_semaphore(%run_scoped3A : memref<!tpu.dma_semaphore, #tpu.memory_space<semaphore_mem>>)
      %dma_wait3A_21 = tpu.memref_slice %arg3[%add3A_4] : memref<8192xi32, #tpu.memory_space<hbm>> -> memref<128xi32, #tpu.memory_space<hbm>>
      %dma_wait3A_22 = tpu.memref_slice %arg3[%add3A_4] : memref<8192xi32, #tpu.memory_space<hbm>> -> memref<128xi32, #tpu.memory_space<hbm>>
      tpu.wait_dma2 semaphore(%run_scoped3A : memref<!tpu.dma_semaphore, #tpu.memory_space<semaphore_mem>>) src(%dma_wait3A_22 : memref<128xi32, #tpu.memory_space<hbm>>) dst(%arg5 : memref<128xi32, #tpu.memory_space<vmem>>)
      tpu.yield
    }) : () -> ()
    %dma_start3A = arith.constant 0 : i32
    %dma_start3A_5 = arith.constant 0 : i32
    %dma_start3A_6 = tpu.memref_slice %arg2[%dma_start3A, %dma_start3A_5] : memref<8192x768xf32, #tpu.memory_space<hbm>> -> memref<8192x768xf32, #tpu.memory_space<hbm>>
    tpu.enqueue_indirect_dma source(%dma_start3A_6 : memref<8192x768xf32, #tpu.memory_space<hbm>>) target(%arg6 : memref<128x768xf32, #tpu.memory_space<vmem>>) offsets(%arg5 : memref<128xi32, #tpu.memory_space<vmem>>) semaphore(%arg7 : memref<!tpu.dma_semaphore, #tpu.memory_space<semaphore_mem>>)
    %dma_wait3A = arith.constant 0 : i32
    %dma_wait3A_7 = arith.constant 0 : i32
    %dma_wait3A_8 = tpu.memref_slice %arg2[%dma_wait3A, %dma_wait3A_7] : memref<8192x768xf32, #tpu.memory_space<hbm>> -> memref<8192x768xf32, #tpu.memory_space<hbm>>
    tpu.wait_indirect_dma semaphore(%arg7 : memref<!tpu.dma_semaphore, #tpu.memory_space<semaphore_mem>>) src(%dma_wait3A_8 : memref<8192x768xf32, #tpu.memory_space<hbm>>) dst(%arg6 : memref<128x768xf32, #tpu.memory_space<vmem>>)
    "tpu.region"() ({
      %run_scoped3A = tpu.sem_alloc : memref<!tpu.dma_semaphore, #tpu.memory_space<semaphore_mem>>
      %dma_start3A_19 = arith.constant 0 : i32
      %dma_start3A_20 = tpu.memref_slice %arg4[%add3A_4, %dma_start3A_19] : memref<8192x768xf32, #tpu.memory_space<hbm>> -> memref<128x768xf32, #tpu.memory_space<hbm>>
      %dma_start3A_21 = arith.constant 0 : i32
      %dma_start3A_22 = tpu.memref_slice %arg4[%add3A_4, %dma_start3A_21] : memref<8192x768xf32, #tpu.memory_space<hbm>> -> memref<128x768xf32, #tpu.memory_space<hbm>>
      tpu.enqueue_dma source(%arg6 : memref<128x768xf32, #tpu.memory_space<vmem>>) target(%dma_start3A_22 : memref<128x768xf32, #tpu.memory_space<hbm>>) target_semaphore(%run_scoped3A : memref<!tpu.dma_semaphore, #tpu.memory_space<semaphore_mem>>)
      %dma_wait3A_23 = arith.constant 0 : i32
      %dma_wait3A_24 = tpu.memref_slice %arg4[%add3A_4, %dma_wait3A_23] : memref<8192x768xf32, #tpu.memory_space<hbm>> -> memref<128x768xf32, #tpu.memory_space<hbm>>
      %dma_wait3A_25 = arith.constant 0 : i32
      %dma_wait3A_26 = tpu.memref_slice %arg4[%add3A_4, %dma_wait3A_25] : memref<8192x768xf32, #tpu.memory_space<hbm>> -> memref<128x768xf32, #tpu.memory_space<hbm>>
      tpu.wait_dma2 semaphore(%run_scoped3A : memref<!tpu.dma_semaphore, #tpu.memory_space<semaphore_mem>>) src(%arg6 : memref<128x768xf32, #tpu.memory_space<vmem>>) dst(%dma_wait3A_26 : memref<128x768xf32, #tpu.memory_space<hbm>>)
      tpu.yield
    }) : () -> ()
    %mul3A_9 = arith.constant 256 : i32
    %mul3A_10 = arith.muli %add3A, %mul3A_9 : i32
    %add3A_11 = arith.constant 128 : i32
    %add3A_12 = arith.addi %mul3A_10, %add3A_11 : i32
    "tpu.region"() ({
      %run_scoped3A = tpu.sem_alloc : memref<!tpu.dma_semaphore, #tpu.memory_space<semaphore_mem>>
      %dma_start3A_19 = tpu.memref_slice %arg3[%add3A_12] : memref<8192xi32, #tpu.memory_space<hbm>> -> memref<128xi32, #tpu.memory_space<hbm>>
      %dma_start3A_20 = tpu.memref_slice %arg3[%add3A_12] : memref<8192xi32, #tpu.memory_space<hbm>> -> memref<128xi32, #tpu.memory_space<hbm>>
      tpu.enqueue_dma source(%dma_start3A_20 : memref<128xi32, #tpu.memory_space<hbm>>) target(%arg5 : memref<128xi32, #tpu.memory_space<vmem>>) target_semaphore(%run_scoped3A : memref<!tpu.dma_semaphore, #tpu.memory_space<semaphore_mem>>)
      %dma_wait3A_21 = tpu.memref_slice %arg3[%add3A_12] : memref<8192xi32, #tpu.memory_space<hbm>> -> memref<128xi32, #tpu.memory_space<hbm>>
      %dma_wait3A_22 = tpu.memref_slice %arg3[%add3A_12] : memref<8192xi32, #tpu.memory_space<hbm>> -> memref<128xi32, #tpu.memory_space<hbm>>
      tpu.wait_dma2 semaphore(%run_scoped3A : memref<!tpu.dma_semaphore, #tpu.memory_space<semaphore_mem>>) src(%dma_wait3A_22 : memref<128xi32, #tpu.memory_space<hbm>>) dst(%arg5 : memref<128xi32, #tpu.memory_space<vmem>>)
      tpu.yield
    }) : () -> ()
    %dma_start3A_13 = arith.constant 0 : i32
    %dma_start3A_14 = arith.constant 0 : i32
    %dma_start3A_15 = tpu.memref_slice %arg2[%dma_start3A_13, %dma_start3A_14] : memref<8192x768xf32, #tpu.memory_space<hbm>> -> memref<8192x768xf32, #tpu.memory_space<hbm>>
    tpu.enqueue_indirect_dma source(%dma_start3A_15 : memref<8192x768xf32, #tpu.memory_space<hbm>>) target(%arg6 : memref<128x768xf32, #tpu.memory_space<vmem>>) offsets(%arg5 : memref<128xi32, #tpu.memory_space<vmem>>) semaphore(%arg7 : memref<!tpu.dma_semaphore, #tpu.memory_space<semaphore_mem>>)
    %dma_wait3A_16 = arith.constant 0 : i32
    %dma_wait3A_17 = arith.constant 0 : i32
    %dma_wait3A_18 = tpu.memref_slice %arg2[%dma_wait3A_16, %dma_wait3A_17] : memref<8192x768xf32, #tpu.memory_space<hbm>> -> memref<8192x768xf32, #tpu.memory_space<hbm>>
    tpu.wait_indirect_dma semaphore(%arg7 : memref<!tpu.dma_semaphore, #tpu.memory_space<semaphore_mem>>) src(%dma_wait3A_18 : memref<8192x768xf32, #tpu.memory_space<hbm>>) dst(%arg6 : memref<128x768xf32, #tpu.memory_space<vmem>>)
    "tpu.region"() ({
      %run_scoped3A = tpu.sem_alloc : memref<!tpu.dma_semaphore, #tpu.memory_space<semaphore_mem>>
      %dma_start3A_19 = arith.constant 0 : i32
      %dma_start3A_20 = tpu.memref_slice %arg4[%add3A_12, %dma_start3A_19] : memref<8192x768xf32, #tpu.memory_space<hbm>> -> memref<128x768xf32, #tpu.memory_space<hbm>>
      %dma_start3A_21 = arith.constant 0 : i32
      %dma_start3A_22 = tpu.memref_slice %arg4[%add3A_12, %dma_start3A_21] : memref<8192x768xf32, #tpu.memory_space<hbm>> -> memref<128x768xf32, #tpu.memory_space<hbm>>
      tpu.enqueue_dma source(%arg6 : memref<128x768xf32, #tpu.memory_space<vmem>>) target(%dma_start3A_22 : memref<128x768xf32, #tpu.memory_space<hbm>>) target_semaphore(%run_scoped3A : memref<!tpu.dma_semaphore, #tpu.memory_space<semaphore_mem>>)
      %dma_wait3A_23 = arith.constant 0 : i32
      %dma_wait3A_24 = tpu.memref_slice %arg4[%add3A_12, %dma_wait3A_23] : memref<8192x768xf32, #tpu.memory_space<hbm>> -> memref<128x768xf32, #tpu.memory_space<hbm>>
      %dma_wait3A_25 = arith.constant 0 : i32
      %dma_wait3A_26 = tpu.memref_slice %arg4[%add3A_12, %dma_wait3A_25] : memref<8192x768xf32, #tpu.memory_space<hbm>> -> memref<128x768xf32, #tpu.memory_space<hbm>>
      tpu.wait_dma2 semaphore(%run_scoped3A : memref<!tpu.dma_semaphore, #tpu.memory_space<semaphore_mem>>) src(%arg6 : memref<128x768xf32, #tpu.memory_space<vmem>>) dst(%dma_wait3A_26 : memref<128x768xf32, #tpu.memory_space<hbm>>)
      tpu.yield
    }) : () -> ()
    return
  }
}

module attributes {stable_mosaic.version = 14 : i64} {
  func.func @_mlp_step(%arg0: i32, %arg1: memref<95xi32, #tpu.memory_space<smem>>, %arg2: memref<95xi32, #tpu.memory_space<smem>>, %arg3: memref<65xi32, #tpu.memory_space<smem>>, %arg4: memref<256x768xf32, #tpu.memory_space<vmem>>, %arg5: memref<1x768x768xf32, #tpu.memory_space<vmem>>, %arg6: memref<1x1x768xf32, #tpu.memory_space<vmem>>, %arg7: memref<1x768x768xf32, #tpu.memory_space<vmem>>, %arg8: memref<1x1x768xf32, #tpu.memory_space<vmem>>, %arg9: memref<256x768xf32, #tpu.memory_space<vmem>>) attributes {dimension_semantics = [#tpu.dimension_semantics<arbitrary>], iteration_bounds = array<i64: 95>, scalar_prefetch = 3 : i64, scratch_operands = 0 : i64, tpu.core_type = #tpu.core_type<tc>, window_params = [{transform_indices = @transform_0, window_bounds = array<i64: 256, 768>}, {transform_indices = @transform_1, window_bounds = array<i64: 1, 768, 768>}, {transform_indices = @transform_2, window_bounds = array<i64: 1, 1, 768>}, {transform_indices = @transform_3, window_bounds = array<i64: 1, 768, 768>}, {transform_indices = @transform_4, window_bounds = array<i64: 1, 1, 768>}, {transform_indices = @transform_5, window_bounds = array<i64: 256, 768>}]} {
    %get3A = arith.index_cast %arg0 : i32 to index
    %get3A_0 = memref.load %arg1[%get3A] : memref<95xi32, #tpu.memory_space<smem>>
    %get3A_1 = arith.index_cast %arg0 : i32 to index
    %get3A_2 = memref.load %arg2[%get3A_1] : memref<95xi32, #tpu.memory_space<smem>>
    %get3A_3 = arith.index_cast %get3A_0 : i32 to index
    %get3A_4 = memref.load %arg3[%get3A_3] : memref<65xi32, #tpu.memory_space<smem>>
    %add3A = arith.constant 1 : i32
    %add3A_5 = arith.addi %get3A_0, %add3A : i32
    %get3A_6 = arith.index_cast %add3A_5 : i32 to index
    %get3A_7 = memref.load %arg3[%get3A_6] : memref<65xi32, #tpu.memory_space<smem>>
    %get3A_8 = arith.constant 0 : index
    %get3A_9 = arith.constant 0 : index
    %get3A_10 = vector.load %arg4[%get3A_8, %get3A_9] : memref<256x768xf32, #tpu.memory_space<vmem>>, vector<256x768xf32>
    %get3A_11 = arith.constant 0 : index
    %get3A_12 = arith.constant 0 : index
    %get3A_13 = arith.constant 0 : index
    %get3A_14 = vector.load %arg5[%get3A_11, %get3A_12, %get3A_13] : memref<1x768x768xf32, #tpu.memory_space<vmem>>, vector<1x768x768xf32>
    %get3A_15 = vector.shape_cast %get3A_14 : vector<1x768x768xf32> to vector<768x768xf32>
    %dot_general3A = arith.constant dense<0.000000e+00> : vector<256x768xf32>
    %dot_general3A_16 = tpu.matmul %get3A_10, %get3A_15, %dot_general3A {dimension_numbers = #tpu.dot_dimension_numbers<[1], [1], [0], [0], [0, 0, 1, 0], [], []>, transpose_lhs_hint = false} : vector<256x768xf32>, vector<768x768xf32>, vector<256x768xf32> -> vector<256x768xf32>
    %get3A_17 = arith.constant 0 : index
    %get3A_18 = arith.constant 0 : index
    %get3A_19 = arith.constant 0 : index
    %get3A_20 = vector.load %arg6[%get3A_17, %get3A_18, %get3A_19] : memref<1x1x768xf32, #tpu.memory_space<vmem>>, vector<1x1x768xf32>
    %get3A_21 = vector.shape_cast %get3A_20 : vector<1x1x768xf32> to vector<1x768xf32>
    %add3A_22 = vector.broadcast %get3A_21 : vector<1x768xf32> to vector<256x768xf32>
    %add3A_23 = arith.addf %dot_general3A_16, %add3A_22 : vector<256x768xf32>
    %mul3A = arith.constant 5.000000e-01 : f32
    %mul3A_24 = vector.broadcast %mul3A : f32 to vector<256x768xf32>
    %mul3A_25 = arith.mulf %mul3A_24, %add3A_23 : vector<256x768xf32>
    %mul3A_26 = arith.constant 0.707106769 : f32
    %mul3A_27 = vector.broadcast %mul3A_26 : f32 to vector<256x768xf32>
    %mul3A_28 = arith.mulf %add3A_23, %mul3A_27 : vector<256x768xf32>
    %erf3A = math.erf %mul3A_28 : vector<256x768xf32>
    %add3A_29 = arith.constant 1.000000e+00 : f32
    %add3A_30 = vector.broadcast %add3A_29 : f32 to vector<256x768xf32>
    %add3A_31 = arith.addf %add3A_30, %erf3A : vector<256x768xf32>
    %mul3A_32 = arith.mulf %mul3A_25, %add3A_31 : vector<256x768xf32>
    %get3A_33 = arith.constant 0 : index
    %get3A_34 = arith.constant 0 : index
    %get3A_35 = arith.constant 0 : index
    %get3A_36 = vector.load %arg7[%get3A_33, %get3A_34, %get3A_35] : memref<1x768x768xf32, #tpu.memory_space<vmem>>, vector<1x768x768xf32>
    %get3A_37 = vector.shape_cast %get3A_36 : vector<1x768x768xf32> to vector<768x768xf32>
    %dot_general3A_38 = arith.constant dense<0.000000e+00> : vector<256x768xf32>
    %dot_general3A_39 = tpu.matmul %mul3A_32, %get3A_37, %dot_general3A_38 {dimension_numbers = #tpu.dot_dimension_numbers<[1], [1], [0], [0], [0, 0, 1, 0], [], []>, transpose_lhs_hint = false} : vector<256x768xf32>, vector<768x768xf32>, vector<256x768xf32> -> vector<256x768xf32>
    %get3A_40 = arith.constant 0 : index
    %get3A_41 = arith.constant 0 : index
    %get3A_42 = arith.constant 0 : index
    %get3A_43 = vector.load %arg8[%get3A_40, %get3A_41, %get3A_42] : memref<1x1x768xf32, #tpu.memory_space<vmem>>, vector<1x1x768xf32>
    %get3A_44 = vector.shape_cast %get3A_43 : vector<1x1x768xf32> to vector<1x768xf32>
    %add3A_45 = vector.broadcast %get3A_44 : vector<1x768xf32> to vector<256x768xf32>
    %add3A_46 = arith.addf %dot_general3A_39, %add3A_45 : vector<256x768xf32>
    %mul3A_47 = arith.constant 256 : i32
    %mul3A_48 = arith.muli %get3A_2, %mul3A_47 : i32
    %iota3A = tpu.iota {dimensions = array<i32: 0>} : vector<256x1xi32>
    %add3A_49 = vector.broadcast %mul3A_48 : i32 to vector<256x1xi32>
    %add3A_50 = arith.addi %add3A_49, %iota3A : vector<256x1xi32>
    %ge3A = vector.broadcast %get3A_4 : i32 to vector<256x1xi32>
    %ge3A_51 = arith.cmpi sge, %add3A_50, %ge3A : vector<256x1xi32>
    %lt3A = vector.broadcast %get3A_7 : i32 to vector<256x1xi32>
    %lt3A_52 = arith.cmpi slt, %add3A_50, %lt3A : vector<256x1xi32>
    %and3A = arith.andi %ge3A_51, %lt3A_52 : vector<256x1xi1>
    %get3A_53 = arith.constant 0 : index
    %get3A_54 = arith.constant 0 : index
    %get3A_55 = vector.load %arg9[%get3A_53, %get3A_54] : memref<256x768xf32, #tpu.memory_space<vmem>>, vector<256x768xf32>
    %broadcast_in_dim3A = vector.shape_cast %and3A : vector<256x1xi1> to vector<256x1xi1>
    %broadcast_in_dim3A_56 = vector.broadcast %broadcast_in_dim3A : vector<256x1xi1> to vector<256x768xi1>
    %select_n3A = arith.select %broadcast_in_dim3A_56, %add3A_46, %get3A_55 : vector<256x768xi1>, vector<256x768xf32>
    %swap3A = arith.constant 0 : index
    %swap3A_57 = arith.constant 0 : index
    %swap3A_58 = vector.load %arg9[%swap3A, %swap3A_57] : memref<256x768xf32, #tpu.memory_space<vmem>>, vector<256x768xf32>
    tpu.vector_store %arg9[%swap3A, %swap3A_57], %select_n3A {strides = array<i32>} : memref<256x768xf32, #tpu.memory_space<vmem>>, vector<256x768xf32>,
    return
  }
  func.func @transform_0(%arg0: i32, %arg1: memref<95xi32, #tpu.memory_space<smem>>, %arg2: memref<95xi32, #tpu.memory_space<smem>>, %arg3: memref<65xi32, #tpu.memory_space<smem>>) -> (i32, i32) {
    %get3A = arith.index_cast %arg0 : i32 to index
    %get3A_0 = memref.load %arg2[%get3A] : memref<95xi32, #tpu.memory_space<smem>>
    %c0_i32 = arith.constant 0 : i32
    %c0_i32_1 = arith.constant 0 : i32
    return %get3A_0, %c0_i32 : i32, i32
  }
  func.func @transform_1(%arg0: i32, %arg1: memref<95xi32, #tpu.memory_space<smem>>, %arg2: memref<95xi32, #tpu.memory_space<smem>>, %arg3: memref<65xi32, #tpu.memory_space<smem>>) -> (i32, i32, i32) {
    %get3A = arith.index_cast %arg0 : i32 to index
    %get3A_0 = memref.load %arg1[%get3A] : memref<95xi32, #tpu.memory_space<smem>>
    %c0_i32 = arith.constant 0 : i32
    %c0_i32_1 = arith.constant 0 : i32
    %c0_i32_2 = arith.constant 0 : i32
    return %get3A_0, %c0_i32, %c0_i32_1 : i32, i32, i32
  }
  func.func @transform_2(%arg0: i32, %arg1: memref<95xi32, #tpu.memory_space<smem>>, %arg2: memref<95xi32, #tpu.memory_space<smem>>, %arg3: memref<65xi32, #tpu.memory_space<smem>>) -> (i32, i32, i32) {
    %get3A = arith.index_cast %arg0 : i32 to index
    %get3A_0 = memref.load %arg1[%get3A] : memref<95xi32, #tpu.memory_space<smem>>
    %c0_i32 = arith.constant 0 : i32
    %c0_i32_1 = arith.constant 0 : i32
    %c0_i32_2 = arith.constant 0 : i32
    return %get3A_0, %c0_i32, %c0_i32_1 : i32, i32, i32
  }
  func.func @transform_3(%arg0: i32, %arg1: memref<95xi32, #tpu.memory_space<smem>>, %arg2: memref<95xi32, #tpu.memory_space<smem>>, %arg3: memref<65xi32, #tpu.memory_space<smem>>) -> (i32, i32, i32) {
    %get3A = arith.index_cast %arg0 : i32 to index
    %get3A_0 = memref.load %arg1[%get3A] : memref<95xi32, #tpu.memory_space<smem>>
    %c0_i32 = arith.constant 0 : i32
    %c0_i32_1 = arith.constant 0 : i32
    %c0_i32_2 = arith.constant 0 : i32
    return %get3A_0, %c0_i32, %c0_i32_1 : i32, i32, i32
  }
  func.func @transform_4(%arg0: i32, %arg1: memref<95xi32, #tpu.memory_space<smem>>, %arg2: memref<95xi32, #tpu.memory_space<smem>>, %arg3: memref<65xi32, #tpu.memory_space<smem>>) -> (i32, i32, i32) {
    %get3A = arith.index_cast %arg0 : i32 to index
    %get3A_0 = memref.load %arg1[%get3A] : memref<95xi32, #tpu.memory_space<smem>>
    %c0_i32 = arith.constant 0 : i32
    %c0_i32_1 = arith.constant 0 : i32
    %c0_i32_2 = arith.constant 0 : i32
    return %get3A_0, %c0_i32, %c0_i32_1 : i32, i32, i32
  }
  func.func @transform_5(%arg0: i32, %arg1: memref<95xi32, #tpu.memory_space<smem>>, %arg2: memref<95xi32, #tpu.memory_space<smem>>, %arg3: memref<65xi32, #tpu.memory_space<smem>>) -> (i32, i32) {
    %get3A = arith.index_cast %arg0 : i32 to index
    %get3A_0 = memref.load %arg2[%get3A] : memref<95xi32, #tpu.memory_space<smem>>
    %c0_i32 = arith.constant 0 : i32
    %c0_i32_1 = arith.constant 0 : i32
    return %get3A_0, %c0_i32 : i32, i32
  }
}

</mosaic_0001>

<sc_bundles>
// kernel: kernel.5.cloned.1.call-start
scs
__scs_entry_jumppad:
0x0: {  	(pc) =	sbr.rel $0x88, $3  }
0x1: {  	(tag) =	ssettag $0x0;
	lr =	simm.s32 $0x1  }
0x2: {  	[smem:$0x3F9B] =	sst lr;
	_ =	strace $0xD0000000  }
0x3: {  	_ = 	snop  }
0x4: {  	_ = 	snop  }
0x5: {  	_ = 	snop  }
0x6: {  	_ = 	snop  }
0x7: {  	_ = 	snop  }
__scs_overlays_trampoline_lowered:
0x8: {  	[smem:$0x3FAA] =	sst s0  }
0x9: {  	[smem:$0x3FAB] =	sst s1  }
0xa: {  	[smem:$0x3FAC] =	sst s2  }
0xb: {  	[smem:$0x3FAD] =	sst s3  }
0xc: {  	[smem:$0x3FAE] =	sst s4  }
0xd: {  	[smem:$0x3FAF] =	sst s5  }
0xe: {  	[smem:$0x3FB0] =	sst s6  }
0xf: {  	[smem:$0x3FB1] =	sst s7  }
0x10: {  	[smem:$0x3FB2] =	sst s8  }
0x11: {  	[smem:$0x3FB3] =	sst s9;
	s0 =	simm.s32 @!p0 $0x0  }
0x12: {  	s1 =	sld [smem:$0x3F99];
	s0 =	simm.s32 @p0 $0x1  }
0x13: {  	[smem:$0x3FB4] =	sst s0;
	s0 =	simm.s32 @!p1 $0x0  }
0x14: {  	s2 =	sld [smem:$0x3F98];
	s0 =	simm.s32 @p1 $0x1  }
0x15: {  	[smem:$0x3FB5] =	sst s0;
	s0 =	simm.s32 @!p2 $0x0  }
0x16: {  	s3 =	sld [smem:$0x3FDB];
	s0 =	simm.s32 @p2 $0x1  }
0x17: {  	s4 =	simm.s32 $0x1BF5;
	[smem:$0x3FB7] =	sst s0  }
0x18: {  	s0 =	sld [smem:$0x3F9A];
	_ =	swait.ge [sflag:s4], $0x0  }
0x19: {  	s7 =	sld [smem:$0x3F9B]  }
0x1a: {  	s8 =	sadd.s32 $0xFFFFE003, lr  }
0x1b: {  	s9 =	sadd.s32 $0xFFFFFEF7, lr;
	s5 =	simm.s32 $0xFFFFFFFF;
	p2 =	slt.u32 s8, $0xFFFFF086  }
0x1c: {  	p1 =	slt.u32 s9, $0xF7A;
	s5 =	simm.s32 @!p2 $0x0  }
0x1d: {  	s5 =	simm.s32 @p1 $0x1;
	p0 =	seq.s32 s7, s2  }
0x1e: {  	s7 =	smul.u32 @!p0 $0xF7A, s2;
	p2 =	seq.s32 @!p0 s5, $0x0  }
0x1f: {  	s9 =	smul.u32 $0xF7A, s1;
	s8 =	simm.s32 @!p0 $0x1BF5;
	p2 =	por !p2, p0  }
0x20: {  	[sflag:s8] =	ssyncset.s32 @!p0 $0xFFFFF086;
	s6 =	sadd.s32 @!p0 s3, s7;
	s7 =	simm.s32 @!p0 $0x108  }
0x21: {  	s3 =	sadd.s32 s3, s9;
	s6 =	sadd.s32 @!p0 $0x88, s6;
	s7 =	simm.s32 @p2 $0x1082  }
0x22: {  	[simem:s7], [sflag:s8] =	dma.local @!p0 [hbm:s6], $0xF7A  }
0x23: {  	s9 =	sor.u32 $0xD0000000, s2;
	s6 =	simm.s32 $0x108;
	_ =	swait.ge @!p0 [sflag:s8], $0x0  }
0x24: {  	s3 =	sadd.s32 $0x88, s3;
	s6 =	simm.s32 @!p1 $0x1082;
	[sflag:s4] =	ssyncset.s32 $0xFFFFF086  }
0x25: {  	[simem:s6], [sflag:s4] =	dma.local [hbm:s3], $0xF7A  }
0x26: {  	[smem:$0x3F9B] =	sst s1;
	(tag) =	ssettag s2;
	_ =	strace s9  }
0x27: {  	s1 =	sld [smem:$0x3FAB]  }
0x28: {  	s2 =	sld [smem:$0x3FAC]  }
0x29: {  	s4 =	sld [smem:$0x3FAE]  }
0x2a: {  	p0 =	seq.s32 s5, $0x0;
	s5 =	sld [smem:$0x3FAF]  }
0x2b: {  	s6 =	sld [smem:$0x3FB0]  }
0x2c: {  	s7 =	sld [smem:$0x3FB1]  }
0x2d: {  	s3 =	simm.s32 $0x108;
	s8 =	sld [smem:$0x3FB2]  }
0x2e: {  	s3 =	simm.s32 @!p0 $0x1082;
	s9 =	sld [smem:$0x3FB3]  }
0x2f: {  	lr =	sadd.s32 s0, s3;
	s0 =	sld [smem:$0x3FAA]  }
0x30: {  	s3 =	sld [smem:$0x3FAD]  }
0x31: {  	[smem:$0x3FB6] =	sst s10  }
0x32: {  	s10 =	sld [smem:$0x3FB4];
	_ =	sdelay $0x3  }
0x33: {  	p0 =	seq.s32 s10, $0x1;
	s10 =	sld [smem:$0x3FB6];
	_ =	sdelay $0x3  }
0x34: {  	[smem:$0x3FB6] =	sst s10  }
0x35: {  	s10 =	sld [smem:$0x3FB5];
	_ =	sdelay $0x3  }
0x36: {  	p1 =	seq.s32 s10, $0x1;
	s10 =	sld [smem:$0x3FB6];
	_ =	sdelay $0x3  }
0x37: {  	[smem:$0x3FB6] =	sst s10  }
0x38: {  	s10 =	sld [smem:$0x3FB7]  }
0x39: {  	_ = 	snop;
	(pc) =	sbr.ind lr, $3  }
0x3a: {  	_ = 	snop  }
0x3b: {  	_ = 	snop  }
0x3c: {  	p2 =	seq.s32 s10, $0x1;
	s10 =	sld [smem:$0x3FB6]  }
0x3d: {  	_ =	shalt  }
0x3e: {  	_ =	shalt  }
0x3f: {  	_ =	shalt  }
0x40: {  	_ =	shalt  }
0x41: {  	_ =	shalt  }
0x42: {  	_ =	shalt  }
0x43: {  	_ =	shalt  }
0x44: {  	_ =	shalt  }
0x45: {  	_ =	shalt  }
0x46: {  	_ =	shalt  }
0x47: {  	_ =	shalt  }
0x48: {  	_ =	shalt  }
0x49: {  	_ =	shalt  }
0x4a: {  	_ =	shalt  }
0x4b: {  	_ =	shalt  }
0x4c: {  	_ =	shalt  }
0x4d: {  	_ =	shalt  }
0x4e: {  	_ =	shalt  }
0x4f: {  	_ =	shalt  }
0x50: {  	_ =	shalt  }
0x51: {  	_ =	shalt  }
0x52: {  	_ =	shalt  }
0x53: {  	_ =	shalt  }
0x54: {  	_ =	shalt  }
0x55: {  	_ =	shalt  }
0x56: {  	_ =	shalt  }
0x57: {  	_ =	shalt  }
0x58: {  	_ =	shalt  }
0x59: {  	_ =	shalt  }
0x5a: {  	_ =	shalt  }
0x5b: {  	_ =	shalt  }
0x5c: {  	_ =	shalt  }
0x5d: {  	_ =	shalt  }
0x5e: {  	_ =	shalt  }
0x5f: {  	_ =	shalt  }
0x60: {  	_ =	shalt  }
0x61: {  	_ =	shalt  }
0x62: {  	_ =	shalt  }
0x63: {  	_ =	shalt  }
0x64: {  	_ =	shalt  }
0x65: {  	_ =	shalt  }
0x66: {  	_ =	shalt  }
0x67: {  	_ =	shalt  }
0x68: {  	_ =	shalt  }
0x69: {  	_ =	shalt  }
0x6a: {  	_ =	shalt  }
0x6b: {  	_ =	shalt  }
0x6c: {  	_ =	shalt  }
0x6d: {  	_ =	shalt  }
0x6e: {  	_ =	shalt  }
0x6f: {  	_ =	shalt  }
0x70: {  	_ =	shalt  }
0x71: {  	_ =	shalt  }
0x72: {  	_ =	shalt  }
0x73: {  	_ =	shalt  }
0x74: {  	_ =	shalt  }
0x75: {  	_ =	shalt  }
0x76: {  	_ =	shalt  }
0x77: {  	_ =	shalt  }
0x78: {  	_ =	shalt  }
0x79: {  	_ =	shalt  }
0x7a: {  	_ =	shalt  }
0x7b: {  	_ =	shalt  }
0x7c: {  	_ =	shalt  }
0x7d: {  	_ =	shalt  }
0x7e: {  	_ =	shalt  }
0x7f: {  	_ =	shalt  }
0x80: {  	_ =	shalt  }
0x81: {  	_ =	shalt  }
0x82: {  	_ =	shalt  }
0x83: {  	_ =	shalt  }
0x84: {  	_ =	shalt  }
0x85: {  	_ =	shalt  }
0x86: {  	_ =	shalt  }
0x87: {  	_ =	shalt  }
.Lfunc_end0:
.L_simem_size_0:
called_computation_lowered:
.L_overlay_start_0:
0x88: {  	s2 =	sld [smem:$0x3FD9]  }
0x89: {  	s3 =	sld [smem:$0x3FFE];
	_ =	sdelay $0x1  }
0x8a: {  	s1 =	srdreg.scid  }
0x8b: {  	s0 =	sand.u32 $0x1, s1  }
0x8c: {  	s17 =	sshll.u32 s0, $0xA;
	s2 =	sadd.s32 s3, s2  }
0x8d: {  	s2 =	sadd.s32 s2, s17  }
0x8e: {  	[smem:$0x3FC2] =	sst s2  }
0x8f: {  	_ = 	snop  }
0x90: {  	s2 =	sld [smem:$0x3FC9]  }
0x91: {  	s18 =	sld [smem:$0x3FD0];
	(tm) =	ssettm $0x1  }
0x92: {  	s4 =	sld [smem:$0x3FFB];
	_ =	sdelay $0x3  }
0x93: {  	_ =	strace s4  }
0x94: {  	s4 =	sld [smem:$0x3FFC];
	_ =	sdelay $0x3  }
0x95: {  	_ =	strace s4  }
0x96: {  	s4 =	sld [smem:$0x3FFD];
	_ =	sdelay $0x3  }
0x97: {  	_ =	strace s4  }
0x98: {  	_ =	strace $0x8FFFFFFF  }
0x99: {  	s19 =	sld [smem:$0x3FDB];
	_ =	sdelay $0x1  }
0x9a: {  	s5 =	simm.s32 $_scs_section_size  }
0x9b: {  	s6 =	simm.s32 $_size__tile_overlayer_lowered;
	s7 =	simm.s32 $_tile_overlayer_lowered  }
0x9c: {  	s22 =	simm.s32 $0x1BFF;
	s21 =	sshll.u32 s7, $0x1;
	s4 =	sadd.s32 s5, s19  }
0x9d: {  	s8 =	simm.s32 $0x0;
	s20 =	sshll.u32 s6, $0x1;
	s6 =	sadd.s32 s21, s4  }
0x9e: {  	[timem:s8], [sflag:s22] =	dma.local [hbm:s6], s20  }
0x9f: {  	_ =	swait.ge [sflag:s22], s20  }
0xa0: {  	s5 =	ssub.s32 $0x0, s20;
	[sflag:s22] =	ssyncset.done $0x0  }
0xa1: {  	[sflag:s22] =	ssyncadd.s32 s5;
	_ =	sdelay $0x1  }
0xa2: {  	s23 =	simm.s32 $0x1B8B  }
0xa3: {  	_ =	swait.ge [sflag:s23], $0x1  }
0xa4: {  	[sflag:s23] =	ssyncset.done $0x0  }
0xa5: {  	s25 =	simm.s32 $0x1B8E;
	s24 =	sld [smem:$0x3FFE];
	[sflag:s23] =	ssyncadd.s32 $0xFFFFFFFF  }
0xa6: {  	s26 =	simm.s32 $execute0_lowered;
	[smem:$0x3FD2] =	sst s25  }
0xa7: {  	s6 =	sshll.u32 s26, $0x1;
	_ =	strace $0x80000046;
	[dreg:$0x1] =	wrdreg $0xFFFFFFFF  }
0xa8: {  	s28 =	simm.s32 $_size_execute0_lowered;
	s4 =	sadd.s32 s4, s6;
	[dreg:$0x0] =	wrdreg $0x0  }
0xa9: {  	s6 =	sshll.u32 s28, $0x1;
	[dreg:$0x2] =	wrdreg s4  }
0xaa: {  	[dreg:$0x3] =	wrdreg s6  }
0xab: {  	[dreg:$0x4] =	wrdreg $0xC0  }
0xac: {  	_ =	task [dreg:s8], $0x5FFFF  }
0xad: {  	[dreg:$0x1] =	wrdreg $0xFFFFFFFF  }
0xae: {  	[dreg:$0x0] =	wrdreg $0x60  }
0xaf: {  	[dreg:$0x2] =	wrdreg s2  }
0xb0: {  	[dreg:$0x3] =	wrdreg s24  }
0xb1: {  	[dreg:$0x4] =	wrdreg s18  }
0xb2: {  	[dreg:$0x5] =	wrdreg $0x9  }
0xb3: {  	_ =	task.clear_ibuf [dreg:s8], $0x6FFFF;
	_ =	strace $0x90000046  }
0xb4: {  	s29 =	simm.s32 $0x9;
	_ =	strace $0x80000048  }
0xb5: {  	_ =	swait.ge [sflag:s29], $0x1  }
0xb6: {  	[sflag:s29] =	ssyncadd.s32 $0xFFFFFFFF  }
0xb7: {  	_ =	strace $0x90000048  }
0xb8: {  	_ =	sfence  }
0xb9: {  	s30 =	sld [smem:$0x0];
	_ =	sdelay $0x2  }
0xba: {  	s31 =	sshll.u32 s1, $0xD;
	s1 =	sshrl.u32 s1, $0x2  }
0xbb: {  	s3 =	sand.u32 $0x4000, s31;
	s1 =	sadd.s32 s1, s30  }
0xbc: {  	s0 =	sor.u32 s3, s0;
	s1 =	sshll.u32 s1, $0x11  }
0xbd: {  	s0 =	sor.u32 s1, s0  }
0xbe: {  	s0 =	sadd.s32 $0x8F2B, s0  }
0xbf: {  	[sflag:s0] =	ssyncadd.remote.s32 $0x1  }
0xc0: {  	_ =	sfence.sel $0xFFFF  }
0xc1: {  	[dreg:$0x0] =	wrdreg $0xFFFFFFFF;
	(pc) =	sbr.abs _section_cstart, $3  }
0xc2: {  	[dreg:$0x1] =	wrdreg $0xFFFFFFFF  }
0xc3: {  	_ =	task.clear_ibuf [dreg:s8], $0x2FFFF;
	_ =	strace $0x9FFFFFFF  }
0xc4: {  	(tm) =	ssettm $0x7FFFFFFF  }
0xc5: {  	_ =	shalt  }
tec
execute0_lowered:
.L_overlay_start_1:
0x0: {  	(tag) =	ssettag $0x1  }
0x1: {  	s0 =	rddreg [dreg:$0x0]  }
0x2: {  	s1 =	rddreg [dreg:$0x1]  }
0x3: {  	s2 =	rddreg [dreg:$0x2];
	s3 =	srdreg.scid  }
0x4: {  	s5 =	stileid.u32;
	s10 =	simm.s32 $0x880;
	s11 =	simm.s32 $0x1080  }
0x5: {  	s12 =	simm.s32 $0x1880;
	s13 =	simm.s32 $0x2080;
	s14 =	simm.s32 $0x2880  }
0x6: {  	s15 =	simm.s32 $0x3080;
	s16 =	simm.s32 $0x3880;
	s17 =	simm.s32 $0x4080  }
0x7: {  	s18 =	simm.s32 $0x4880;
	s19 =	simm.s32 $0x5080;
	s20 =	simm.s32 $0x5880  }
0x8: {  	s21 =	simm.s32 $0x6080;
	s22 =	simm.s32 $0x6880;
	s23 =	simm.s32 $0x7080  }
0x9: {  	s24 =	simm.s32 $0x7880;
	s28 =	simm.s32 $0x9080;
	s29 =	simm.s32 $0x9880  }
0xa: {  	s30 =	simm.s32 $0xA080;
	s31 =	simm.s32 $0xA880;
	s4 =	sand.u32 $0x1, s3  }
0xb: {  	s3 =	simm.s32 $0x0;
	s5 =	sshll.u32 s5, $0x6;
	s6 =	sshll.u32 s4, $0x5  }
0xc: {  	[smem:$0x7FF] =	sst s3;
	s4 =	ssub.s32 $0x2, s4;
	s5 =	sor.u32 s6, s5  }
0xd: {  	_ =	strace $0x80000047;
	s8 =	sshrl.u32 s4, $0x1;
	s6 =	smul.u32 $0x300, s5  }
0xe: {  	s7 =	sadd.s32 s1, s5;
	s5 =	sor.u32 $0x10, s5;
	s26 =	ssub.s32 s4, s8  }
0xf: {  	s4 =	sadd.s32 $0x100, s2;
	[dreg:$0x4] =	wrdreg s7;
	s25 =	smul.u32 $0x300, s5  }
0x10: {  	s1 =	sadd.s32 s1, s5;
	s5 =	sadd.s32 $0x200, s2;
	s7 =	simm.s32 $0x2  }
0x11: {  	v2 =	vlaneseq.u32;
	s6 =	sadd.s32 s0, s6;
	[dreg:$0x6] =	wrdreg s1;
	s1 =	simm.s32 $0x1  }
0x12: {  	vm0 =	vmmov $0xffff;
	v1 =	vshrl.u32 v2, $0x3;
	[dreg:$0x5] =	wrdreg s6;
	s0 =	sadd.s32 s0, s25;
	s6 =	smax.u32 s26, $0x1  }
0x13: {  	v0 =	vand.u32 $0x7, v2;
	v2 =	vor.u32 $0x8, v2;
	v1 =	vmul.u32 $0x8, v1;
	s25 =	simm.s32 $0x8080;
	s26 =	simm.s32 $0x8880;
	[dreg:$0x7] =	wrdreg s0  }
.LBB2_1:
0x14: {  	s9 =	rddreg [dreg:$0x4]  }
0x15: {  	[tilespmem:s3], [sflag:$0x2] =	stream.linear.gather [hbm4b:s9+s3], $0x80, $0x38;
	[tilespmem:$0x18080] =	vst v63  }
0x16: {  	_ =	swait.ge [sflag:s7], $0x80  }
0x17: {  	[sflag:s7] =	ssyncset.done $0x0  }
0x18: {  	s0 =	simm.s32 $0x80;
	s8 =	rddreg [dreg:$0x5];
	[sflag:s7] =	ssyncadd.s32 $0xFFFFFF80  }
0x19: {  	[tilespmem:s0], [sflag:$0x2] =	stream.linear.gather [hbm4b:s8+s3], $0x18000, $0x38;
	[tilespmem:$0x18080] =	vst v63  }
0x1a: {  	_ =	swait.ge [sflag:s7], $0x18000  }
0x1b: {  	[sflag:s7] =	ssyncset.done $0x0  }
0x1c: {  	[sflag:s7] =	ssyncadd.s32 $0xFFFE8000  }
0x1d: {  	v3 =	vld [tilespmem:$0x0];
	_ =	sdelay $0x4  }
0x1e: {  	v4 =	vshrl.u32 v3, $0x3  }
0x1f: {  	v4 =	vmul.u32 $0x30, v4  }
0x20: {  	v3 =	vand.u32 $0x7, v3  }
0x21: {  	v3 =	vor.u32 v3, v4  }
0x22: {  	v4 =	vperm.xlane v3, v0;
	_ =	sdelay $0x1  }
0x23: {  	v4 =	vadd.s32 v1, v4;
	_ =	sdelay $0x3  }
0x24: {  	v3 =	vperm.xlane v3, v2  }
0x25: {  	[hbm4b:s2+s3] =	stream.indirect_vreg.scatter [tilespmem:s0], [sflag:$0x1], $0x80, v4, vm0, $0xb8;
	[tilespmem:$0x18080] =	vst v63  }
0x26: {  	v3 =	vadd.s32 v1, v3  }
0x27: {  	[hbm4b:s4+s3] =	stream.indirect_vreg.scatter [tilespmem:s10], [sflag:$0x1], $0x80, v4, vm0, $0xb8;
	[tilespmem:$0x18080] =	vst v63  }
0x28: {  	_ = 	snop  }
0x29: {  	[hbm4b:s5+s3] =	stream.indirect_vreg.scatter [tilespmem:s11], [sflag:$0x1], $0x80, v4, vm0, $0xb8;
	[tilespmem:$0x18080] =	vst v63  }
0x2a: {  	_ = 	snop  }
0x2b: {  	[hbm4b:s2+s3] =	stream.indirect_vreg.scatter [tilespmem:s12], [sflag:$0x1], $0x80, v3, vm0, $0xb8;
	[tilespmem:$0x18080] =	vst v63  }
0x2c: {  	_ = 	snop  }
0x2d: {  	[hbm4b:s4+s3] =	stream.indirect_vreg.scatter [tilespmem:s13], [sflag:$0x1], $0x80, v3, vm0, $0xb8;
	[tilespmem:$0x18080] =	vst v63  }
0x2e: {  	_ = 	snop  }
0x2f: {  	[hbm4b:s5+s3] =	stream.indirect_vreg.scatter [tilespmem:s14], [sflag:$0x1], $0x80, v3, vm0, $0xb8;
	[tilespmem:$0x18080] =	vst v63  }
0x30: {  	v3 =	vld [tilespmem:$0x10];
	_ =	sdelay $0x4  }
0x31: {  	v49 =	vshrl.u32 v3, $0x3  }
0x32: {  	v4 =	vmul.u32 $0x30, v49  }
0x33: {  	v3 =	vand.u32 $0x7, v3  }
0x34: {  	v3 =	vor.u32 v3, v4  }
0x35: {  	v4 =	vperm.xlane v3, v0;
	_ =	sdelay $0x1  }
0x36: {  	v4 =	vadd.s32 v1, v4;
	_ =	sdelay $0x3  }
0x37: {  	v3 =	vperm.xlane v3, v2  }
0x38: {  	[hbm4b:s2+s3] =	stream.indirect_vreg.scatter [tilespmem:s15], [sflag:$0x1], $0x80, v4, vm0, $0xb8;
	[tilespmem:$0x18080] =	vst v63  }
0x39: {  	v3 =	vadd.s32 v1, v3  }
0x3a: {  	[hbm4b:s4+s3] =	stream.indirect_vreg.scatter [tilespmem:s16], [sflag:$0x1], $0x80, v4, vm0, $0xb8;
	[tilespmem:$0x18080] =	vst v63  }
0x3b: {  	_ = 	snop  }
0x3c: {  	[hbm4b:s5+s3] =	stream.indirect_vreg.scatter [tilespmem:s17], [sflag:$0x1], $0x80, v4, vm0, $0xb8;
	[tilespmem:$0x18080] =	vst v63  }
0x3d: {  	_ = 	snop  }
0x3e: {  	[hbm4b:s2+s3] =	stream.indirect_vreg.scatter [tilespmem:s18], [sflag:$0x1], $0x80, v3, vm0, $0xb8;
	[tilespmem:$0x18080] =	vst v63  }
0x3f: {  	_ = 	snop  }
0x40: {  	[hbm4b:s4+s3] =	stream.indirect_vreg.scatter [tilespmem:s19], [sflag:$0x1], $0x80, v3, vm0, $0xb8;
	[tilespmem:$0x18080] =	vst v63  }
0x41: {  	_ = 	snop  }
0x42: {  	[hbm4b:s5+s3] =	stream.indirect_vreg.scatter [tilespmem:s20], [sflag:$0x1], $0x80, v3, vm0, $0xb8;
	[tilespmem:$0x18080] =	vst v63  }
0x43: {  	v3 =	vld [tilespmem:$0x20];
	_ =	sdelay $0x4  }
0x44: {  	v50 =	vshrl.u32 v3, $0x3  }
0x45: {  	v4 =	vmul.u32 $0x30, v50  }
0x46: {  	v3 =	vand.u32 $0x7, v3  }
0x47: {  	v3 =	vor.u32 v3, v4  }
0x48: {  	v4 =	vperm.xlane v3, v0;
	_ =	sdelay $0x1  }
0x49: {  	v4 =	vadd.s32 v1, v4;
	_ =	sdelay $0x3  }
0x4a: {  	v3 =	vperm.xlane v3, v2  }
0x4b: {  	[hbm4b:s2+s3] =	stream.indirect_vreg.scatter [tilespmem:s21], [sflag:$0x1], $0x80, v4, vm0, $0xb8;
	[tilespmem:$0x18080] =	vst v63  }
0x4c: {  	v3 =	vadd.s32 v1, v3  }
0x4d: {  	[hbm4b:s4+s3] =	stream.indirect_vreg.scatter [tilespmem:s22], [sflag:$0x1], $0x80, v4, vm0, $0xb8;
	[tilespmem:$0x18080] =	vst v63  }
0x4e: {  	_ = 	snop  }
0x4f: {  	[hbm4b:s5+s3] =	stream.indirect_vreg.scatter [tilespmem:s23], [sflag:$0x1], $0x80, v4, vm0, $0xb8;
	[tilespmem:$0x18080] =	vst v63  }
0x50: {  	_ = 	snop  }
0x51: {  	[hbm4b:s2+s3] =	stream.indirect_vreg.scatter [tilespmem:s24], [sflag:$0x1], $0x80, v3, vm0, $0xb8;
	[tilespmem:$0x18080] =	vst v63  }
0x52: {  	_ = 	snop  }
0x53: {  	[hbm4b:s4+s3] =	stream.indirect_vreg.scatter [tilespmem:s25], [sflag:$0x1], $0x80, v3, vm0, $0xb8;
	[tilespmem:$0x18080] =	vst v63  }
0x54: {  	_ = 	snop  }
0x55: {  	[hbm4b:s5+s3] =	stream.indirect_vreg.scatter [tilespmem:s26], [sflag:$0x1], $0x80, v3, vm0, $0xb8;
	[tilespmem:$0x18080] =	vst v63  }
0x56: {  	v3 =	vld [tilespmem:$0x30];
	_ =	sdelay $0x4  }
0x57: {  	v51 =	vshrl.u32 v3, $0x3  }
0x58: {  	v4 =	vmul.u32 $0x30, v51  }
0x59: {  	v3 =	vand.u32 $0x7, v3  }
0x5a: {  	v3 =	vor.u32 v3, v4  }
0x5b: {  	v4 =	vperm.xlane v3, v0;
	_ =	sdelay $0x1  }
0x5c: {  	v4 =	vadd.s32 v1, v4;
	_ =	sdelay $0x3  }
0x5d: {  	v3 =	vperm.xlane v3, v2  }
0x5e: {  	[hbm4b:s2+s3] =	stream.indirect_vreg.scatter [tilespmem:s28], [sflag:$0x1], $0x80, v4, vm0, $0xb8;
	[tilespmem:$0x18080] =	vst v63  }
0x5f: {  	v3 =	vadd.s32 v1, v3  }
0x60: {  	[hbm4b:s4+s3] =	stream.indirect_vreg.scatter [tilespmem:s29], [sflag:$0x1], $0x80, v4, vm0, $0xb8;
	[tilespmem:$0x18080] =	vst v63  }
0x61: {  	_ = 	snop  }
0x62: {  	[hbm4b:s5+s3] =	stream.indirect_vreg.scatter [tilespmem:s30], [sflag:$0x1], $0x80, v4, vm0, $0xb8;
	[tilespmem:$0x18080] =	vst v63  }
0x63: {  	_ = 	snop  }
0x64: {  	[hbm4b:s2+s3] =	stream.indirect_vreg.scatter [tilespmem:s31], [sflag:$0x1], $0x80, v3, vm0, $0xb8;
	[tilespmem:$0x18080] =	vst v63  }
0x65: {  	s8 =	simm.s32 $0xB080  }
0x66: {  	[hbm4b:s4+s3] =	stream.indirect_vreg.scatter [tilespmem:s8], [sflag:$0x1], $0x80, v3, vm0, $0xb8;
	[tilespmem:$0x18080] =	vst v63  }
0x67: {  	s8 =	simm.s32 $0xB880  }
0x68: {  	[hbm4b:s5+s3] =	stream.indirect_vreg.scatter [tilespmem:s8], [sflag:$0x1], $0x80, v3, vm0, $0xb8;
	[tilespmem:$0x18080] =	vst v63  }
0x69: {  	v3 =	vld [tilespmem:$0x40];
	_ =	sdelay $0x4  }
0x6a: {  	v52 =	vshrl.u32 v3, $0x3  }
0x6b: {  	v4 =	vmul.u32 $0x30, v52  }
0x6c: {  	v3 =	vand.u32 $0x7, v3  }
0x6d: {  	v3 =	vor.u32 v3, v4  }
0x6e: {  	v4 =	vperm.xlane v3, v0;
	_ =	sdelay $0x1  }
0x6f: {  	v4 =	vadd.s32 v1, v4;
	_ =	sdelay $0x3  }
0x70: {  	s9 =	simm.s32 $0xC080;
	v3 =	vperm.xlane v3, v2  }
0x71: {  	[hbm4b:s2+s3] =	stream.indirect_vreg.scatter [tilespmem:s9], [sflag:$0x1], $0x80, v4, vm0, $0xb8;
	[tilespmem:$0x18080] =	vst v63  }
0x72: {  	v3 =	vadd.s32 v1, v3;
	s9 =	simm.s32 $0xC880  }
0x73: {  	[hbm4b:s4+s3] =	stream.indirect_vreg.scatter [tilespmem:s9], [sflag:$0x1], $0x80, v4, vm0, $0xb8;
	[tilespmem:$0x18080] =	vst v63  }
0x74: {  	s9 =	simm.s32 $0xD080  }
0x75: {  	[hbm4b:s5+s3] =	stream.indirect_vreg.scatter [tilespmem:s9], [sflag:$0x1], $0x80, v4, vm0, $0xb8;
	[tilespmem:$0x18080] =	vst v63  }
0x76: {  	s9 =	simm.s32 $0xD880  }
0x77: {  	[hbm4b:s2+s3] =	stream.indirect_vreg.scatter [tilespmem:s9], [sflag:$0x1], $0x80, v3, vm0, $0xb8;
	[tilespmem:$0x18080] =	vst v63  }
0x78: {  	s9 =	simm.s32 $0xE080  }
0x79: {  	[hbm4b:s4+s3] =	stream.indirect_vreg.scatter [tilespmem:s9], [sflag:$0x1], $0x80, v3, vm0, $0xb8;
	[tilespmem:$0x18080] =	vst v63  }
0x7a: {  	s9 =	simm.s32 $0xE880  }
0x7b: {  	[hbm4b:s5+s3] =	stream.indirect_vreg.scatter [tilespmem:s9], [sflag:$0x1], $0x80, v3, vm0, $0xb8;
	[tilespmem:$0x18080] =	vst v63  }
0x7c: {  	v3 =	vld [tilespmem:$0x50];
	_ =	sdelay $0x4  }
0x7d: {  	v53 =	vshrl.u32 v3, $0x3  }
0x7e: {  	v4 =	vmul.u32 $0x30, v53  }
0x7f: {  	v3 =	vand.u32 $0x7, v3  }
0x80: {  	v3 =	vor.u32 v3, v4  }
0x81: {  	v4 =	vperm.xlane v3, v0;
	_ =	sdelay $0x1  }
0x82: {  	v4 =	vadd.s32 v1, v4;
	_ =	sdelay $0x3  }
0x83: {  	s9 =	simm.s32 $0xF080;
	v3 =	vperm.xlane v3, v2  }
0x84: {  	[hbm4b:s2+s3] =	stream.indirect_vreg.scatter [tilespmem:s9], [sflag:$0x1], $0x80, v4, vm0, $0xb8;
	[tilespmem:$0x18080] =	vst v63  }
0x85: {  	v3 =	vadd.s32 v1, v3;
	s9 =	simm.s32 $0xF880  }
0x86: {  	[hbm4b:s4+s3] =	stream.indirect_vreg.scatter [tilespmem:s9], [sflag:$0x1], $0x80, v4, vm0, $0xb8;
	[tilespmem:$0x18080] =	vst v63  }
0x87: {  	s9 =	simm.s32 $0x10080  }
0x88: {  	[hbm4b:s5+s3] =	stream.indirect_vreg.scatter [tilespmem:s9], [sflag:$0x1], $0x80, v4, vm0, $0xb8;
	[tilespmem:$0x18080] =	vst v63  }
0x89: {  	s9 =	simm.s32 $0x10880  }
0x8a: {  	[hbm4b:s2+s3] =	stream.indirect_vreg.scatter [tilespmem:s9], [sflag:$0x1], $0x80, v3, vm0, $0xb8;
	[tilespmem:$0x18080] =	vst v63  }
0x8b: {  	s9 =	simm.s32 $0x11080  }
0x8c: {  	[hbm4b:s4+s3] =	stream.indirect_vreg.scatter [tilespmem:s9], [sflag:$0x1], $0x80, v3, vm0, $0xb8;
	[tilespmem:$0x18080] =	vst v63  }
0x8d: {  	s9 =	simm.s32 $0x11880  }
0x8e: {  	[hbm4b:s5+s3] =	stream.indirect_vreg.scatter [tilespmem:s9], [sflag:$0x1], $0x80, v3, vm0, $0xb8;
	[tilespmem:$0x18080] =	vst v63  }
0x8f: {  	v3 =	vld [tilespmem:$0x60];
	_ =	sdelay $0x4  }
0x90: {  	v54 =	vshrl.u32 v3, $0x3  }
0x91: {  	v4 =	vmul.u32 $0x30, v54  }
0x92: {  	v3 =	vand.u32 $0x7, v3  }
0x93: {  	v3 =	vor.u32 v3, v4  }
0x94: {  	v4 =	vperm.xlane v3, v0;
	_ =	sdelay $0x1  }
0x95: {  	v4 =	vadd.s32 v1, v4;
	_ =	sdelay $0x3  }
0x96: {  	s9 =	simm.s32 $0x12080;
	v3 =	vperm.xlane v3, v2  }
0x97: {  	[hbm4b:s2+s3] =	stream.indirect_vreg.scatter [tilespmem:s9], [sflag:$0x1], $0x80, v4, vm0, $0xb8;
	[tilespmem:$0x18080] =	vst v63  }
0x98: {  	v3 =	vadd.s32 v1, v3;
	s9 =	simm.s32 $0x12880  }
0x99: {  	[hbm4b:s4+s3] =	stream.indirect_vreg.scatter [tilespmem:s9], [sflag:$0x1], $0x80, v4, vm0, $0xb8;
	[tilespmem:$0x18080] =	vst v63  }
0x9a: {  	s9 =	simm.s32 $0x13080  }
0x9b: {  	[hbm4b:s5+s3] =	stream.indirect_vreg.scatter [tilespmem:s9], [sflag:$0x1], $0x80, v4, vm0, $0xb8;
	[tilespmem:$0x18080] =	vst v63  }
0x9c: {  	s9 =	simm.s32 $0x13880  }
0x9d: {  	[hbm4b:s2+s3] =	stream.indirect_vreg.scatter [tilespmem:s9], [sflag:$0x1], $0x80, v3, vm0, $0xb8;
	[tilespmem:$0x18080] =	vst v63  }
0x9e: {  	s9 =	simm.s32 $0x14080  }
0x9f: {  	[hbm4b:s4+s3] =	stream.indirect_vreg.scatter [tilespmem:s9], [sflag:$0x1], $0x80, v3, vm0, $0xb8;
	[tilespmem:$0x18080] =	vst v63  }
0xa0: {  	s9 =	simm.s32 $0x14880  }
0xa1: {  	[hbm4b:s5+s3] =	stream.indirect_vreg.scatter [tilespmem:s9], [sflag:$0x1], $0x80, v3, vm0, $0xb8;
	[tilespmem:$0x18080] =	vst v63  }
0xa2: {  	v3 =	vld [tilespmem:$0x70];
	_ =	sdelay $0x4  }
0xa3: {  	v55 =	vshrl.u32 v3, $0x3  }
0xa4: {  	v4 =	vmul.u32 $0x30, v55  }
0xa5: {  	v3 =	vand.u32 $0x7, v3  }
0xa6: {  	v3 =	vor.u32 v3, v4  }
0xa7: {  	v4 =	vperm.xlane v3, v0;
	_ =	sdelay $0x1  }
0xa8: {  	v4 =	vadd.s32 v1, v4;
	_ =	sdelay $0x3  }
0xa9: {  	s9 =	simm.s32 $0x15080;
	v3 =	vperm.xlane v3, v2  }
0xaa: {  	[hbm4b:s2+s3] =	stream.indirect_vreg.scatter [tilespmem:s9], [sflag:$0x1], $0x80, v4, vm0, $0xb8;
	[tilespmem:$0x18080] =	vst v63  }
0xab: {  	v3 =	vadd.s32 v1, v3;
	s9 =	simm.s32 $0x15880  }
0xac: {  	[hbm4b:s4+s3] =	stream.indirect_vreg.scatter [tilespmem:s9], [sflag:$0x1], $0x80, v4, vm0, $0xb8;
	[tilespmem:$0x18080] =	vst v63  }
0xad: {  	s9 =	simm.s32 $0x16080  }
0xae: {  	[hbm4b:s5+s3] =	stream.indirect_vreg.scatter [tilespmem:s9], [sflag:$0x1], $0x80, v4, vm0, $0xb8;
	[tilespmem:$0x18080] =	vst v63  }
0xaf: {  	s9 =	simm.s32 $0x16880  }
0xb0: {  	[hbm4b:s2+s3] =	stream.indirect_vreg.scatter [tilespmem:s9], [sflag:$0x1], $0x80, v3, vm0, $0xb8;
	[tilespmem:$0x18080] =	vst v63  }
0xb1: {  	s9 =	simm.s32 $0x17080  }
0xb2: {  	[hbm4b:s4+s3] =	stream.indirect_vreg.scatter [tilespmem:s9], [sflag:$0x1], $0x80, v3, vm0, $0xb8;
	[tilespmem:$0x18080] =	vst v63  }
0xb3: {  	s9 =	simm.s32 $0x17880  }
0xb4: {  	[hbm4b:s5+s3] =	stream.indirect_vreg.scatter [tilespmem:s9], [sflag:$0x1], $0x80, v3, vm0, $0xb8;
	[tilespmem:$0x18080] =	vst v63  }
0xb5: {  	_ =	swait.ge [sflag:s1], $0x18000  }
0xb6: {  	[sflag:s1] =	ssyncset.done $0x0  }
0xb7: {  	s9 =	rddreg [dreg:$0x6];
	[sflag:s1] =	ssyncadd.s32 $0xFFFE8000  }
0xb8: {  	[tilespmem:s3], [sflag:$0x2] =	stream.linear.gather [hbm4b:s9+s3], $0x80, $0x38;
	[tilespmem:$0x18080] =	vst v63  }
0xb9: {  	_ =	swait.ge [sflag:s7], $0x80  }
0xba: {  	[sflag:s7] =	ssyncset.done $0x0  }
0xbb: {  	s9 =	rddreg [dreg:$0x7];
	[sflag:s7] =	ssyncadd.s32 $0xFFFFFF80  }
0xbc: {  	[tilespmem:s0], [sflag:$0x2] =	stream.linear.gather [hbm4b:s9+s3], $0x18000, $0x38;
	[tilespmem:$0x18080] =	vst v63  }
0xbd: {  	_ =	swait.ge [sflag:s7], $0x18000  }
0xbe: {  	[sflag:s7] =	ssyncset.done $0x0  }
0xbf: {  	[sflag:s7] =	ssyncadd.s32 $0xFFFE8000  }
0xc0: {  	v3 =	vld [tilespmem:$0x0];
	_ =	sdelay $0x4  }
0xc1: {  	v56 =	vshrl.u32 v3, $0x3  }
0xc2: {  	v4 =	vmul.u32 $0x30, v56  }
0xc3: {  	v3 =	vand.u32 $0x7, v3  }
0xc4: {  	v3 =	vor.u32 v3, v4  }
0xc5: {  	v4 =	vperm.xlane v3, v0;
	_ =	sdelay $0x1  }
0xc6: {  	v4 =	vadd.s32 v1, v4;
	_ =	sdelay $0x3  }
0xc7: {  	v3 =	vperm.xlane v3, v2  }
0xc8: {  	[hbm4b:s2+s3] =	stream.indirect_vreg.scatter [tilespmem:s0], [sflag:$0x1], $0x80, v4, vm0, $0xb8;
	[tilespmem:$0x18080] =	vst v63  }
0xc9: {  	v3 =	vadd.s32 v1, v3  }
0xca: {  	[hbm4b:s4+s3] =	stream.indirect_vreg.scatter [tilespmem:s10], [sflag:$0x1], $0x80, v4, vm0, $0xb8;
	[tilespmem:$0x18080] =	vst v63  }
0xcb: {  	_ = 	snop  }
0xcc: {  	[hbm4b:s5+s3] =	stream.indirect_vreg.scatter [tilespmem:s11], [sflag:$0x1], $0x80, v4, vm0, $0xb8;
	[tilespmem:$0x18080] =	vst v63  }
0xcd: {  	_ = 	snop  }
0xce: {  	[hbm4b:s2+s3] =	stream.indirect_vreg.scatter [tilespmem:s12], [sflag:$0x1], $0x80, v3, vm0, $0xb8;
	[tilespmem:$0x18080] =	vst v63  }
0xcf: {  	_ = 	snop  }
0xd0: {  	[hbm4b:s4+s3] =	stream.indirect_vreg.scatter [tilespmem:s13], [sflag:$0x1], $0x80, v3, vm0, $0xb8;
	[tilespmem:$0x18080] =	vst v63  }
0xd1: {  	_ = 	snop  }
0xd2: {  	[hbm4b:s5+s3] =	stream.indirect_vreg.scatter [tilespmem:s14], [sflag:$0x1], $0x80, v3, vm0, $0xb8;
	[tilespmem:$0x18080] =	vst v63  }
0xd3: {  	v3 =	vld [tilespmem:$0x10];
	_ =	sdelay $0x4  }
0xd4: {  	v57 =	vshrl.u32 v3, $0x3  }
0xd5: {  	v4 =	vmul.u32 $0x30, v57  }
0xd6: {  	v3 =	vand.u32 $0x7, v3  }
0xd7: {  	v3 =	vor.u32 v3, v4  }
0xd8: {  	v4 =	vperm.xlane v3, v0;
	_ =	sdelay $0x1  }
0xd9: {  	v4 =	vadd.s32 v1, v4;
	_ =	sdelay $0x3  }
0xda: {  	v3 =	vperm.xlane v3, v2  }
0xdb: {  	[hbm4b:s2+s3] =	stream.indirect_vreg.scatter [tilespmem:s15], [sflag:$0x1], $0x80, v4, vm0, $0xb8;
	[tilespmem:$0x18080] =	vst v63  }
0xdc: {  	v3 =	vadd.s32 v1, v3  }
0xdd: {  	[hbm4b:s4+s3] =	stream.indirect_vreg.scatter [tilespmem:s16], [sflag:$0x1], $0x80, v4, vm0, $0xb8;
	[tilespmem:$0x18080] =	vst v63  }
0xde: {  	_ = 	snop  }
0xdf: {  	[hbm4b:s5+s3] =	stream.indirect_vreg.scatter [tilespmem:s17], [sflag:$0x1], $0x80, v4, vm0, $0xb8;
	[tilespmem:$0x18080] =	vst v63  }
0xe0: {  	_ = 	snop  }
0xe1: {  	[hbm4b:s2+s3] =	stream.indirect_vreg.scatter [tilespmem:s18], [sflag:$0x1], $0x80, v3, vm0, $0xb8;
	[tilespmem:$0x18080] =	vst v63  }
0xe2: {  	_ = 	snop  }
0xe3: {  	[hbm4b:s4+s3] =	stream.indirect_vreg.scatter [tilespmem:s19], [sflag:$0x1], $0x80, v3, vm0, $0xb8;
	[tilespmem:$0x18080] =	vst v63  }
0xe4: {  	_ = 	snop  }
0xe5: {  	[hbm4b:s5+s3] =	stream.indirect_vreg.scatter [tilespmem:s20], [sflag:$0x1], $0x80, v3, vm0, $0xb8;
	[tilespmem:$0x18080] =	vst v63  }
0xe6: {  	v3 =	vld [tilespmem:$0x20];
	_ =	sdelay $0x4  }
0xe7: {  	v58 =	vshrl.u32 v3, $0x3  }
0xe8: {  	v4 =	vmul.u32 $0x30, v58  }
0xe9: {  	v3 =	vand.u32 $0x7, v3  }
0xea: {  	v3 =	vor.u32 v3, v4  }
0xeb: {  	v4 =	vperm.xlane v3, v0;
	_ =	sdelay $0x1  }
0xec: {  	v4 =	vadd.s32 v1, v4;
	_ =	sdelay $0x3  }
0xed: {  	v3 =	vperm.xlane v3, v2  }
0xee: {  	[hbm4b:s2+s3] =	stream.indirect_vreg.scatter [tilespmem:s21], [sflag:$0x1], $0x80, v4, vm0, $0xb8;
	[tilespmem:$0x18080] =	vst v63  }
0xef: {  	v3 =	vadd.s32 v1, v3  }
0xf0: {  	[hbm4b:s4+s3] =	stream.indirect_vreg.scatter [tilespmem:s22], [sflag:$0x1], $0x80, v4, vm0, $0xb8;
	[tilespmem:$0x18080] =	vst v63  }
0xf1: {  	_ = 	snop  }
0xf2: {  	[hbm4b:s5+s3] =	stream.indirect_vreg.scatter [tilespmem:s23], [sflag:$0x1], $0x80, v4, vm0, $0xb8;
	[tilespmem:$0x18080] =	vst v63  }
0xf3: {  	_ = 	snop  }
0xf4: {  	[hbm4b:s2+s3] =	stream.indirect_vreg.scatter [tilespmem:s24], [sflag:$0x1], $0x80, v3, vm0, $0xb8;
	[tilespmem:$0x18080] =	vst v63  }
0xf5: {  	_ = 	snop  }
0xf6: {  	[hbm4b:s4+s3] =	stream.indirect_vreg.scatter [tilespmem:s25], [sflag:$0x1], $0x80, v3, vm0, $0xb8;
	[tilespmem:$0x18080] =	vst v63  }
0xf7: {  	_ = 	snop  }
0xf8: {  	[hbm4b:s5+s3] =	stream.indirect_vreg.scatter [tilespmem:s26], [sflag:$0x1], $0x80, v3, vm0, $0xb8;
	[tilespmem:$0x18080] =	vst v63  }
0xf9: {  	v3 =	vld [tilespmem:$0x30];
	_ =	sdelay $0x4  }
0xfa: {  	v59 =	vshrl.u32 v3, $0x3  }
0xfb: {  	v4 =	vmul.u32 $0x30, v59  }
0xfc: {  	v3 =	vand.u32 $0x7, v3  }
0xfd: {  	v3 =	vor.u32 v3, v4  }
0xfe: {  	v4 =	vperm.xlane v3, v0;
	_ =	sdelay $0x1  }
0xff: {  	v4 =	vadd.s32 v1, v4;
	_ =	sdelay $0x3  }
0x100: {  	v3 =	vperm.xlane v3, v2  }
0x101: {  	[hbm4b:s2+s3] =	stream.indirect_vreg.scatter [tilespmem:s28], [sflag:$0x1], $0x80, v4, vm0, $0xb8;
	[tilespmem:$0x18080] =	vst v63  }
0x102: {  	v3 =	vadd.s32 v1, v3  }
0x103: {  	[hbm4b:s4+s3] =	stream.indirect_vreg.scatter [tilespmem:s29], [sflag:$0x1], $0x80, v4, vm0, $0xb8;
	[tilespmem:$0x18080] =	vst v63  }
0x104: {  	_ = 	snop  }
0x105: {  	[hbm4b:s5+s3] =	stream.indirect_vreg.scatter [tilespmem:s30], [sflag:$0x1], $0x80, v4, vm0, $0xb8;
	[tilespmem:$0x18080] =	vst v63  }
0x106: {  	_ = 	snop  }
0x107: {  	[hbm4b:s2+s3] =	stream.indirect_vreg.scatter [tilespmem:s31], [sflag:$0x1], $0x80, v3, vm0, $0xb8;
	[tilespmem:$0x18080] =	vst v63  }
0x108: {  	s9 =	simm.s32 $0xB080  }
0x109: {  	[hbm4b:s4+s3] =	stream.indirect_vreg.scatter [tilespmem:s9], [sflag:$0x1], $0x80, v3, vm0, $0xb8;
	[tilespmem:$0x18080] =	vst v63  }
0x10a: {  	_ = 	snop  }
0x10b: {  	[hbm4b:s5+s3] =	stream.indirect_vreg.scatter [tilespmem:s8], [sflag:$0x1], $0x80, v3, vm0, $0xb8;
	[tilespmem:$0x18080] =	vst v63  }
0x10c: {  	v3 =	vld [tilespmem:$0x40];
	_ =	sdelay $0x4  }
0x10d: {  	v60 =	vshrl.u32 v3, $0x3  }
0x10e: {  	v4 =	vmul.u32 $0x30, v60  }
0x10f: {  	v3 =	vand.u32 $0x7, v3  }
0x110: {  	v3 =	vor.u32 v3, v4  }
0x111: {  	v4 =	vperm.xlane v3, v0;
	_ =	sdelay $0x1  }
0x112: {  	v4 =	vadd.s32 v1, v4;
	_ =	sdelay $0x3  }
0x113: {  	s8 =	simm.s32 $0xC080;
	v3 =	vperm.xlane v3, v2  }
0x114: {  	[hbm4b:s2+s3] =	stream.indirect_vreg.scatter [tilespmem:s8], [sflag:$0x1], $0x80, v4, vm0, $0xb8;
	[tilespmem:$0x18080] =	vst v63  }
0x115: {  	s9 =	simm.s32 $0xC880;
	v3 =	vadd.s32 v1, v3  }
0x116: {  	[hbm4b:s4+s3] =	stream.indirect_vreg.scatter [tilespmem:s9], [sflag:$0x1], $0x80, v4, vm0, $0xb8;
	[tilespmem:$0x18080] =	vst v63  }
0x117: {  	s8 =	simm.s32 $0xD080  }
0x118: {  	[hbm4b:s5+s3] =	stream.indirect_vreg.scatter [tilespmem:s8], [sflag:$0x1], $0x80, v4, vm0, $0xb8;
	[tilespmem:$0x18080] =	vst v63  }
0x119: {  	s9 =	simm.s32 $0xD880  }
0x11a: {  	[hbm4b:s2+s3] =	stream.indirect_vreg.scatter [tilespmem:s9], [sflag:$0x1], $0x80, v3, vm0, $0xb8;
	[tilespmem:$0x18080] =	vst v63  }
0x11b: {  	s8 =	simm.s32 $0xE080  }
0x11c: {  	[hbm4b:s4+s3] =	stream.indirect_vreg.scatter [tilespmem:s8], [sflag:$0x1], $0x80, v3, vm0, $0xb8;
	[tilespmem:$0x18080] =	vst v63  }
0x11d: {  	s9 =	simm.s32 $0xE880  }
0x11e: {  	[hbm4b:s5+s3] =	stream.indirect_vreg.scatter [tilespmem:s9], [sflag:$0x1], $0x80, v3, vm0, $0xb8;
	[tilespmem:$0x18080] =	vst v63  }
0x11f: {  	v3 =	vld [tilespmem:$0x50];
	_ =	sdelay $0x4  }
0x120: {  	v61 =	vshrl.u32 v3, $0x3  }
0x121: {  	v4 =	vmul.u32 $0x30, v61  }
0x122: {  	v3 =	vand.u32 $0x7, v3  }
0x123: {  	v3 =	vor.u32 v3, v4  }
0x124: {  	v4 =	vperm.xlane v3, v0;
	_ =	sdelay $0x1  }
0x125: {  	v4 =	vadd.s32 v1, v4;
	_ =	sdelay $0x3  }
0x126: {  	s8 =	simm.s32 $0xF080;
	v3 =	vperm.xlane v3, v2  }
0x127: {  	[hbm4b:s2+s3] =	stream.indirect_vreg.scatter [tilespmem:s8], [sflag:$0x1], $0x80, v4, vm0, $0xb8;
	[tilespmem:$0x18080] =	vst v63  }
0x128: {  	s9 =	simm.s32 $0xF880;
	v3 =	vadd.s32 v1, v3  }
0x129: {  	[hbm4b:s4+s3] =	stream.indirect_vreg.scatter [tilespmem:s9], [sflag:$0x1], $0x80, v4, vm0, $0xb8;
	[tilespmem:$0x18080] =	vst v63  }
0x12a: {  	s8 =	simm.s32 $0x10080  }
0x12b: {  	[hbm4b:s5+s3] =	stream.indirect_vreg.scatter [tilespmem:s8], [sflag:$0x1], $0x80, v4, vm0, $0xb8;
	[tilespmem:$0x18080] =	vst v63  }
0x12c: {  	s9 =	simm.s32 $0x10880  }
0x12d: {  	[hbm4b:s2+s3] =	stream.indirect_vreg.scatter [tilespmem:s9], [sflag:$0x1], $0x80, v3, vm0, $0xb8;
	[tilespmem:$0x18080] =	vst v63  }
0x12e: {  	s8 =	simm.s32 $0x11080  }
0x12f: {  	[hbm4b:s4+s3] =	stream.indirect_vreg.scatter [tilespmem:s8], [sflag:$0x1], $0x80, v3, vm0, $0xb8;
	[tilespmem:$0x18080] =	vst v63  }
0x130: {  	s9 =	simm.s32 $0x11880  }
0x131: {  	[hbm4b:s5+s3] =	stream.indirect_vreg.scatter [tilespmem:s9], [sflag:$0x1], $0x80, v3, vm0, $0xb8;
	[tilespmem:$0x18080] =	vst v63  }
0x132: {  	v3 =	vld [tilespmem:$0x60];
	_ =	sdelay $0x4  }
0x133: {  	v62 =	vshrl.u32 v3, $0x3  }
0x134: {  	v4 =	vmul.u32 $0x30, v62  }
0x135: {  	v3 =	vand.u32 $0x7, v3  }
0x136: {  	v3 =	vor.u32 v3, v4  }
0x137: {  	v4 =	vperm.xlane v3, v0;
	_ =	sdelay $0x1  }
0x138: {  	v4 =	vadd.s32 v1, v4;
	_ =	sdelay $0x3  }
0x139: {  	s8 =	simm.s32 $0x12080;
	v3 =	vperm.xlane v3, v2  }
0x13a: {  	[hbm4b:s2+s3] =	stream.indirect_vreg.scatter [tilespmem:s8], [sflag:$0x1], $0x80, v4, vm0, $0xb8;
	[tilespmem:$0x18080] =	vst v63  }
0x13b: {  	s9 =	simm.s32 $0x12880;
	v3 =	vadd.s32 v1, v3  }
0x13c: {  	[hbm4b:s4+s3] =	stream.indirect_vreg.scatter [tilespmem:s9], [sflag:$0x1], $0x80, v4, vm0, $0xb8;
	[tilespmem:$0x18080] =	vst v63  }
0x13d: {  	s8 =	simm.s32 $0x13080  }
0x13e: {  	[hbm4b:s5+s3] =	stream.indirect_vreg.scatter [tilespmem:s8], [sflag:$0x1], $0x80, v4, vm0, $0xb8;
	[tilespmem:$0x18080] =	vst v63  }
0x13f: {  	s9 =	simm.s32 $0x13880  }
0x140: {  	[hbm4b:s2+s3] =	stream.indirect_vreg.scatter [tilespmem:s9], [sflag:$0x1], $0x80, v3, vm0, $0xb8;
	[tilespmem:$0x18080] =	vst v63  }
0x141: {  	s8 =	simm.s32 $0x14080  }
0x142: {  	[hbm4b:s4+s3] =	stream.indirect_vreg.scatter [tilespmem:s8], [sflag:$0x1], $0x80, v3, vm0, $0xb8;
	[tilespmem:$0x18080] =	vst v63  }
0x143: {  	s9 =	simm.s32 $0x14880  }
0x144: {  	[hbm4b:s5+s3] =	stream.indirect_vreg.scatter [tilespmem:s9], [sflag:$0x1], $0x80, v3, vm0, $0xb8;
	[tilespmem:$0x18080] =	vst v63  }
0x145: {  	v3 =	vld [tilespmem:$0x70];
	_ =	sdelay $0x4  }
0x146: {  	v63 =	vshrl.u32 v3, $0x3  }
0x147: {  	v4 =	vmul.u32 $0x30, v63  }
0x148: {  	v3 =	vand.u32 $0x7, v3  }
0x149: {  	v3 =	vor.u32 v3, v4  }
0x14a: {  	v4 =	vperm.xlane v3, v0;
	_ =	sdelay $0x1  }
0x14b: {  	v4 =	vadd.s32 v1, v4;
	_ =	sdelay $0x3  }
0x14c: {  	s8 =	simm.s32 $0x15080;
	v3 =	vperm.xlane v3, v2  }
0x14d: {  	[hbm4b:s2+s3] =	stream.indirect_vreg.scatter [tilespmem:s8], [sflag:$0x1], $0x80, v4, vm0, $0xb8;
	[tilespmem:$0x18080] =	vst v63  }
0x14e: {  	s9 =	simm.s32 $0x15880;
	v3 =	vadd.s32 v1, v3  }
0x14f: {  	[hbm4b:s4+s3] =	stream.indirect_vreg.scatter [tilespmem:s9], [sflag:$0x1], $0x80, v4, vm0, $0xb8;
	[tilespmem:$0x18080] =	vst v63  }
0x150: {  	s8 =	simm.s32 $0x16080  }
0x151: {  	[hbm4b:s5+s3] =	stream.indirect_vreg.scatter [tilespmem:s8], [sflag:$0x1], $0x80, v4, vm0, $0xb8;
	[tilespmem:$0x18080] =	vst v63  }
0x152: {  	s9 =	simm.s32 $0x16880  }
0x153: {  	[hbm4b:s2+s3] =	stream.indirect_vreg.scatter [tilespmem:s9], [sflag:$0x1], $0x80, v3, vm0, $0xb8;
	[tilespmem:$0x18080] =	vst v63  }
0x154: {  	p0 =	sne.s32 s6, $0x1;
	s8 =	simm.s32 $0x17080  }
0x155: {  	[hbm4b:s4+s3] =	stream.indirect_vreg.scatter [tilespmem:s8], [sflag:$0x1], $0x80, v3, vm0, $0xb8;
	[tilespmem:$0x18080] =	vst v63  }
.Ltmp0:
0x156: {  	s9 =	simm.s32 $0x17880;
	(pc) =	sbr.rel @p0 .LBB2_1-.Ltmp0, $4  }
0x157: {  	[hbm4b:s5+s3] =	stream.indirect_vreg.scatter [tilespmem:s9], [sflag:$0x1], $0x80, v3, vm0, $0xb8;
	[tilespmem:$0x18080] =	vst v63  }
0x158: {  	_ =	swait.ge [sflag:s1], $0x18000  }
0x159: {  	[sflag:s1] =	ssyncset.done $0x0  }
0x15a: {  	s6 =	sadd.s32 $0xFFFFFFFF, s6;
	[sflag:s1] =	ssyncadd.s32 $0xFFFE8000  }
0x15b: {  	_ =	sfence.sel $0x180000  }
0x15c: {  	[bflag:$0x0] =	sbarrier.arrive $0xFFFF  }
0x15d: {  	_ =	strace $0x90000047  }
0x15e: {  	s0 =	stileid.u32;
	[bflag:$0x2] =	sbarrier.arrive $0xFFFF  }
0x15f: {  	p0 =	sne.s32 s0, $0x0;
	s0 =	rddreg [dreg:$0x3]  }
0x160: {  	s0 =	sadd.s32 @!p0 $0x100000, s0  }
0x161: {  	[sflag:s0] =	ssyncadd.tile.s32 @!p0 $0x1;
	_ =	shalt  }
.Lfunc_end2:
_tile_overlayer_lowered:
.L_overlay_start_2:
0x162: {  	(tag) =	ssettag $0x2  }
0x163: {  	s0 =	rddreg [dreg:$0x0];
	s2 =	stileid.u32  }
0x164: {  	s1 =	rddreg [dreg:$0x1];
	p0 =	sne.s32 s2, $0x0  }
0x165: {  	s3 =	rddreg [dreg:$0x2];
	[bflag:$0x3] =	sbarrier.arrive $0xFFFF;
	s2 =	simm.s32 @!p0 $0x1C02  }
0x166: {  	[timem:s3], [sflag:s2] =	dma.local @!p0 [hbm:s0], s1  }
0x167: {  	s0 =	simm.s32 @!p0 $0x2  }
0x168: {  	_ =	swait.ge @!p0 [sflag:s0], s1  }
0x169: {  	s1 =	ssub.s32 @!p0 $0x0, s1;
	[sflag:s0] =	ssyncset.done @!p0 $0x0  }
0x16a: {  	[sflag:s0] =	ssyncadd.s32 @!p0 s1  }
0x16b: {  	[bflag:$0x3] =	sbarrier.arrive $0xFFFF  }
0x16c: {  	_ =	shalt  }

// kernel: kernel.8.cloned.1.call-start
scs
__scs_entry_jumppad:
0x0: {  	(pc) =	sbr.rel $0x88, $3  }
0x1: {  	(tag) =	ssettag $0x0;
	lr =	simm.s32 $0x1  }
0x2: {  	[smem:$0x3F9B] =	sst lr;
	_ =	strace $0xD0000000  }
0x3: {  	_ = 	snop  }
0x4: {  	_ = 	snop  }
0x5: {  	_ = 	snop  }
0x6: {  	_ = 	snop  }
0x7: {  	_ = 	snop  }
__scs_overlays_trampoline_lowered:
0x8: {  	[smem:$0x3FAA] =	sst s0  }
0x9: {  	[smem:$0x3FAB] =	sst s1  }
0xa: {  	[smem:$0x3FAC] =	sst s2  }
0xb: {  	[smem:$0x3FAD] =	sst s3  }
0xc: {  	[smem:$0x3FAE] =	sst s4  }
0xd: {  	[smem:$0x3FAF] =	sst s5  }
0xe: {  	[smem:$0x3FB0] =	sst s6  }
0xf: {  	[smem:$0x3FB1] =	sst s7  }
0x10: {  	[smem:$0x3FB2] =	sst s8  }
0x11: {  	[smem:$0x3FB3] =	sst s9;
	s0 =	simm.s32 @!p0 $0x0  }
0x12: {  	s1 =	sld [smem:$0x3F99];
	s0 =	simm.s32 @p0 $0x1  }
0x13: {  	[smem:$0x3FB4] =	sst s0;
	s0 =	simm.s32 @!p1 $0x0  }
0x14: {  	s2 =	sld [smem:$0x3F98];
	s0 =	simm.s32 @p1 $0x1  }
0x15: {  	[smem:$0x3FB5] =	sst s0;
	s0 =	simm.s32 @!p2 $0x0  }
0x16: {  	s3 =	sld [smem:$0x3FDB];
	s0 =	simm.s32 @p2 $0x1  }
0x17: {  	s4 =	simm.s32 $0x1BF5;
	[smem:$0x3FB7] =	sst s0  }
0x18: {  	s0 =	sld [smem:$0x3F9A];
	_ =	swait.ge [sflag:s4], $0x0  }
0x19: {  	s7 =	sld [smem:$0x3F9B]  }
0x1a: {  	s8 =	sadd.s32 $0xFFFFE003, lr  }
0x1b: {  	s9 =	sadd.s32 $0xFFFFFEF7, lr;
	s5 =	simm.s32 $0xFFFFFFFF;
	p2 =	slt.u32 s8, $0xFFFFF086  }
0x1c: {  	p1 =	slt.u32 s9, $0xF7A;
	s5 =	simm.s32 @!p2 $0x0  }
0x1d: {  	s5 =	simm.s32 @p1 $0x1;
	p0 =	seq.s32 s7, s2  }
0x1e: {  	s7 =	smul.u32 @!p0 $0xF7A, s2;
	p2 =	seq.s32 @!p0 s5, $0x0  }
0x1f: {  	s9 =	smul.u32 $0xF7A, s1;
	s8 =	simm.s32 @!p0 $0x1BF5;
	p2 =	por !p2, p0  }
0x20: {  	[sflag:s8] =	ssyncset.s32 @!p0 $0xFFFFF086;
	s6 =	sadd.s32 @!p0 s3, s7;
	s7 =	simm.s32 @!p0 $0x108  }
0x21: {  	s3 =	sadd.s32 s3, s9;
	s6 =	sadd.s32 @!p0 $0x88, s6;
	s7 =	simm.s32 @p2 $0x1082  }
0x22: {  	[simem:s7], [sflag:s8] =	dma.local @!p0 [hbm:s6], $0xF7A  }
0x23: {  	s9 =	sor.u32 $0xD0000000, s2;
	s6 =	simm.s32 $0x108;
	_ =	swait.ge @!p0 [sflag:s8], $0x0  }
0x24: {  	s3 =	sadd.s32 $0x88, s3;
	s6 =	simm.s32 @!p1 $0x1082;
	[sflag:s4] =	ssyncset.s32 $0xFFFFF086  }
0x25: {  	[simem:s6], [sflag:s4] =	dma.local [hbm:s3], $0xF7A  }
0x26: {  	[smem:$0x3F9B] =	sst s1;
	(tag) =	ssettag s2;
	_ =	strace s9  }
0x27: {  	s1 =	sld [smem:$0x3FAB]  }
0x28: {  	s2 =	sld [smem:$0x3FAC]  }
0x29: {  	s4 =	sld [smem:$0x3FAE]  }
0x2a: {  	p0 =	seq.s32 s5, $0x0;
	s5 =	sld [smem:$0x3FAF]  }
0x2b: {  	s6 =	sld [smem:$0x3FB0]  }
0x2c: {  	s7 =	sld [smem:$0x3FB1]  }
0x2d: {  	s3 =	simm.s32 $0x108;
	s8 =	sld [smem:$0x3FB2]  }
0x2e: {  	s3 =	simm.s32 @!p0 $0x1082;
	s9 =	sld [smem:$0x3FB3]  }
0x2f: {  	lr =	sadd.s32 s0, s3;
	s0 =	sld [smem:$0x3FAA]  }
0x30: {  	s3 =	sld [smem:$0x3FAD]  }
0x31: {  	[smem:$0x3FB6] =	sst s10  }
0x32: {  	s10 =	sld [smem:$0x3FB4];
	_ =	sdelay $0x3  }
0x33: {  	p0 =	seq.s32 s10, $0x1;
	s10 =	sld [smem:$0x3FB6];
	_ =	sdelay $0x3  }
0x34: {  	[smem:$0x3FB6] =	sst s10  }
0x35: {  	s10 =	sld [smem:$0x3FB5];
	_ =	sdelay $0x3  }
0x36: {  	p1 =	seq.s32 s10, $0x1;
	s10 =	sld [smem:$0x3FB6];
	_ =	sdelay $0x3  }
0x37: {  	[smem:$0x3FB6] =	sst s10  }
0x38: {  	s10 =	sld [smem:$0x3FB7]  }
0x39: {  	_ = 	snop;
	(pc) =	sbr.ind lr, $3  }
0x3a: {  	_ = 	snop  }
0x3b: {  	_ = 	snop  }
0x3c: {  	p2 =	seq.s32 s10, $0x1;
	s10 =	sld [smem:$0x3FB6]  }
0x3d: {  	_ =	shalt  }
0x3e: {  	_ =	shalt  }
0x3f: {  	_ =	shalt  }
0x40: {  	_ =	shalt  }
0x41: {  	_ =	shalt  }
0x42: {  	_ =	shalt  }
0x43: {  	_ =	shalt  }
0x44: {  	_ =	shalt  }
0x45: {  	_ =	shalt  }
0x46: {  	_ =	shalt  }
0x47: {  	_ =	shalt  }
0x48: {  	_ =	shalt  }
0x49: {  	_ =	shalt  }
0x4a: {  	_ =	shalt  }
0x4b: {  	_ =	shalt  }
0x4c: {  	_ =	shalt  }
0x4d: {  	_ =	shalt  }
0x4e: {  	_ =	shalt  }
0x4f: {  	_ =	shalt  }
0x50: {  	_ =	shalt  }
0x51: {  	_ =	shalt  }
0x52: {  	_ =	shalt  }
0x53: {  	_ =	shalt  }
0x54: {  	_ =	shalt  }
0x55: {  	_ =	shalt  }
0x56: {  	_ =	shalt  }
0x57: {  	_ =	shalt  }
0x58: {  	_ =	shalt  }
0x59: {  	_ =	shalt  }
0x5a: {  	_ =	shalt  }
0x5b: {  	_ =	shalt  }
0x5c: {  	_ =	shalt  }
0x5d: {  	_ =	shalt  }
0x5e: {  	_ =	shalt  }
0x5f: {  	_ =	shalt  }
0x60: {  	_ =	shalt  }
0x61: {  	_ =	shalt  }
0x62: {  	_ =	shalt  }
0x63: {  	_ =	shalt  }
0x64: {  	_ =	shalt  }
0x65: {  	_ =	shalt  }
0x66: {  	_ =	shalt  }
0x67: {  	_ =	shalt  }
0x68: {  	_ =	shalt  }
0x69: {  	_ =	shalt  }
0x6a: {  	_ =	shalt  }
0x6b: {  	_ =	shalt  }
0x6c: {  	_ =	shalt  }
0x6d: {  	_ =	shalt  }
0x6e: {  	_ =	shalt  }
0x6f: {  	_ =	shalt  }
0x70: {  	_ =	shalt  }
0x71: {  	_ =	shalt  }
0x72: {  	_ =	shalt  }
0x73: {  	_ =	shalt  }
0x74: {  	_ =	shalt  }
0x75: {  	_ =	shalt  }
0x76: {  	_ =	shalt  }
0x77: {  	_ =	shalt  }
0x78: {  	_ =	shalt  }
0x79: {  	_ =	shalt  }
0x7a: {  	_ =	shalt  }
0x7b: {  	_ =	shalt  }
0x7c: {  	_ =	shalt  }
0x7d: {  	_ =	shalt  }
0x7e: {  	_ =	shalt  }
0x7f: {  	_ =	shalt  }
0x80: {  	_ =	shalt  }
0x81: {  	_ =	shalt  }
0x82: {  	_ =	shalt  }
0x83: {  	_ =	shalt  }
0x84: {  	_ =	shalt  }
0x85: {  	_ =	shalt  }
0x86: {  	_ =	shalt  }
0x87: {  	_ =	shalt  }
.Lfunc_end0:
.L_simem_size_0:
called_computation.1_lowered:
.L_overlay_start_0:
0x88: {  	s2 =	sld [smem:$0x3FD9]  }
0x89: {  	s3 =	sld [smem:$0x3FFE];
	_ =	sdelay $0x1  }
0x8a: {  	s1 =	srdreg.scid  }
0x8b: {  	s0 =	sand.u32 $0x1, s1  }
0x8c: {  	s17 =	sshll.u32 s0, $0xA;
	s2 =	sadd.s32 s3, s2  }
0x8d: {  	s2 =	sadd.s32 s2, s17  }
0x8e: {  	[smem:$0x3FC2] =	sst s2  }
0x8f: {  	_ = 	snop  }
0x90: {  	s2 =	sld [smem:$0x3FD0];
	(tm) =	ssettm $0x1  }
0x91: {  	s18 =	sld [smem:$0x3FFB];
	_ =	sdelay $0x3  }
0x92: {  	_ =	strace s18  }
0x93: {  	s3 =	sld [smem:$0x3FFC];
	_ =	sdelay $0x3  }
0x94: {  	_ =	strace s3  }
0x95: {  	s3 =	sld [smem:$0x3FFD];
	_ =	sdelay $0x3  }
0x96: {  	_ =	strace s3  }
0x97: {  	_ =	strace $0x8FFFFFFF  }
0x98: {  	s19 =	sld [smem:$0x3FDB];
	_ =	sdelay $0x1  }
0x99: {  	s4 =	simm.s32 $_scs_section_size  }
0x9a: {  	s5 =	simm.s32 $_size__tile_overlayer_lowered;
	s6 =	simm.s32 $_tile_overlayer_lowered  }
0x9b: {  	s22 =	simm.s32 $0x1BFF;
	s21 =	sshll.u32 s6, $0x1;
	s3 =	sadd.s32 s4, s19  }
0x9c: {  	s7 =	simm.s32 $0x0;
	s20 =	sshll.u32 s5, $0x1;
	s5 =	sadd.s32 s21, s3  }
0x9d: {  	[timem:s7], [sflag:s22] =	dma.local [hbm:s5], s20  }
0x9e: {  	_ =	swait.ge [sflag:s22], s20  }
0x9f: {  	s4 =	ssub.s32 $0x0, s20;
	[sflag:s22] =	ssyncset.done $0x0  }
0xa0: {  	[sflag:s22] =	ssyncadd.s32 s4;
	_ =	sdelay $0x1  }
0xa1: {  	s23 =	simm.s32 $0x1B8B  }
0xa2: {  	_ =	swait.ge [sflag:s23], $0x1  }
0xa3: {  	[sflag:s23] =	ssyncset.done $0x0  }
0xa4: {  	s25 =	simm.s32 $0x1B8E;
	s24 =	sld [smem:$0x3FFE];
	[sflag:s23] =	ssyncadd.s32 $0xFFFFFFFF  }
0xa5: {  	s26 =	simm.s32 $execute0_lowered;
	[smem:$0x3FD2] =	sst s25  }
0xa6: {  	s5 =	sshll.u32 s26, $0x1;
	_ =	strace $0x80000049;
	[dreg:$0x1] =	wrdreg $0xFFFFFFFF  }
0xa7: {  	s28 =	simm.s32 $_size_execute0_lowered;
	s3 =	sadd.s32 s3, s5;
	[dreg:$0x0] =	wrdreg $0x0  }
0xa8: {  	s5 =	sshll.u32 s28, $0x1;
	[dreg:$0x2] =	wrdreg s3  }
0xa9: {  	[dreg:$0x3] =	wrdreg s5  }
0xaa: {  	[dreg:$0x4] =	wrdreg $0xC0  }
0xab: {  	_ =	task [dreg:s7], $0x5FFFF  }
0xac: {  	[dreg:$0x1] =	wrdreg $0xFFFFFFFF  }
0xad: {  	[dreg:$0x0] =	wrdreg $0x60  }
0xae: {  	[dreg:$0x2] =	wrdreg s24  }
0xaf: {  	[dreg:$0x3] =	wrdreg s2  }
0xb0: {  	[dreg:$0x4] =	wrdreg $0x9  }
0xb1: {  	_ =	task.clear_ibuf [dreg:s7], $0x5FFFF;
	_ =	strace $0x90000049  }
0xb2: {  	s29 =	simm.s32 $0x9;
	_ =	strace $0x8000004B  }
0xb3: {  	_ =	swait.ge [sflag:s29], $0x1  }
0xb4: {  	[sflag:s29] =	ssyncadd.s32 $0xFFFFFFFF  }
0xb5: {  	_ =	strace $0x9000004B  }
0xb6: {  	_ =	sfence  }
0xb7: {  	s30 =	sld [smem:$0x0];
	_ =	sdelay $0x2  }
0xb8: {  	s31 =	sshll.u32 s1, $0xD;
	s1 =	sshrl.u32 s1, $0x2  }
0xb9: {  	s3 =	sand.u32 $0x4000, s31;
	s1 =	sadd.s32 s1, s30  }
0xba: {  	s0 =	sor.u32 s3, s0;
	s1 =	sshll.u32 s1, $0x11  }
0xbb: {  	s0 =	sor.u32 s1, s0  }
0xbc: {  	s0 =	sadd.s32 $0x8F2B, s0  }
0xbd: {  	[sflag:s0] =	ssyncadd.remote.s32 $0x1  }
0xbe: {  	_ =	sfence.sel $0xFFFF  }
0xbf: {  	[dreg:$0x0] =	wrdreg $0xFFFFFFFF;
	(pc) =	sbr.abs _section_cstart, $3  }
0xc0: {  	[dreg:$0x1] =	wrdreg $0xFFFFFFFF  }
0xc1: {  	_ =	task.clear_ibuf [dreg:s7], $0x2FFFF;
	_ =	strace $0x9FFFFFFF  }
0xc2: {  	(tm) =	ssettm $0x7FFFFFFF  }
0xc3: {  	_ =	shalt  }
tec
execute0_lowered:
.L_overlay_start_1:
0x0: {  	(tag) =	ssettag $0x1  }
0x1: {  	s0 =	rddreg [dreg:$0x0]  }
0x2: {  	s1 =	rddreg [dreg:$0x1]  }
0x3: {  	s2 =	srdreg.scid;
	s3 =	stileid.u32;
	s10 =	simm.s32 $0x880  }
0x4: {  	s11 =	simm.s32 $0x1080;
	s12 =	simm.s32 $0x1880;
	s13 =	simm.s32 $0x2080  }
0x5: {  	s14 =	simm.s32 $0x2880;
	s15 =	simm.s32 $0x3080;
	s16 =	simm.s32 $0x3880  }
0x6: {  	s17 =	simm.s32 $0x4080;
	s18 =	simm.s32 $0x4880;
	s19 =	simm.s32 $0x5080  }
0x7: {  	s20 =	simm.s32 $0x5880;
	s21 =	simm.s32 $0x6080;
	s22 =	simm.s32 $0x6880  }
0x8: {  	s23 =	simm.s32 $0x7080;
	s24 =	simm.s32 $0x7880;
	s28 =	simm.s32 $0x9080  }
0x9: {  	s29 =	simm.s32 $0x9880;
	s30 =	simm.s32 $0xA080;
	s31 =	simm.s32 $0xA880  }
0xa: {  	s4 =	sand.u32 $0x1, s2;
	s2 =	simm.s32 $0x0;
	s3 =	sshll.u32 s3, $0x6  }
0xb: {  	s5 =	sshll.u32 s4, $0x5;
	[smem:$0x7FF] =	sst s2;
	s4 =	ssub.s32 $0x2, s4  }
0xc: {  	s5 =	sor.u32 s5, s3;
	_ =	strace $0x8000004A;
	s3 =	sadd.s32 $0x400, s0  }
0xd: {  	s8 =	sshrl.u32 s4, $0x1;
	s6 =	smul.u32 $0x300, s5;
	s7 =	sadd.s32 s0, s5  }
0xe: {  	s5 =	sor.u32 $0x10, s5;
	s26 =	ssub.s32 s4, s8;
	s4 =	sadd.s32 $0x500, s0  }
0xf: {  	[dreg:$0x3] =	wrdreg s7;
	s25 =	smul.u32 $0x300, s5;
	s5 =	sadd.s32 s0, s5  }
0x10: {  	s8 =	simm.s32 $0xB880;
	s6 =	sadd.s32 s1, s6;
	[dreg:$0x5] =	wrdreg s5  }
0x11: {  	v2 =	vlaneseq.u32;
	s7 =	simm.s32 $0x2;
	s5 =	sadd.s32 $0x600, s0;
	[dreg:$0x4] =	wrdreg s6  }
0x12: {  	vm0 =	vmmov $0xffff;
	v1 =	vshrl.u32 v2, $0x3;
	s1 =	sadd.s32 s1, s25;
	s6 =	smax.u32 s26, $0x1;
	s25 =	simm.s32 $0x8080  }
0x13: {  	v0 =	vand.u32 $0x7, v2;
	v2 =	vor.u32 $0x8, v2;
	v1 =	vmul.u32 $0x8, v1;
	s26 =	simm.s32 $0x8880;
	[dreg:$0x6] =	wrdreg s1;
	s1 =	simm.s32 $0x1  }
.LBB2_1:
0x14: {  	s9 =	rddreg [dreg:$0x3]  }
0x15: {  	[tilespmem:s2], [sflag:$0x2] =	stream.linear.gather [hbm4b:s9+s2], $0x80, $0x38;
	[tilespmem:$0x18080] =	vst v63  }
0x16: {  	_ =	swait.ge [sflag:s7], $0x80  }
0x17: {  	[sflag:s7] =	ssyncset.done $0x0  }
0x18: {  	[sflag:s7] =	ssyncadd.s32 $0xFFFFFF80  }
0x19: {  	v3 =	vld [tilespmem:$0x0];
	_ =	sdelay $0x4  }
0x1a: {  	v4 =	vshrl.u32 v3, $0x3  }
0x1b: {  	v4 =	vmul.u32 $0x30, v4  }
0x1c: {  	v3 =	vand.u32 $0x7, v3  }
0x1d: {  	v3 =	vor.u32 v3, v4  }
0x1e: {  	v4 =	vperm.xlane v3, v0;
	_ =	sdelay $0x1  }
0x1f: {  	v4 =	vadd.s32 v1, v4;
	_ =	sdelay $0x3  }
0x20: {  	s0 =	simm.s32 $0x80;
	v3 =	vperm.xlane v3, v2  }
0x21: {  	[tilespmem:s0], [sflag:$0x1] =	stream.indirect_vreg.gather [hbm4b:s3+s2], $0x80, v4, vm0, $0xb8;
	[tilespmem:$0x18080] =	vst v63  }
0x22: {  	v3 =	vadd.s32 v1, v3  }
0x23: {  	[tilespmem:s10], [sflag:$0x1] =	stream.indirect_vreg.gather [hbm4b:s4+s2], $0x80, v4, vm0, $0xb8;
	[tilespmem:$0x18080] =	vst v63  }
0x24: {  	_ = 	snop  }
0x25: {  	[tilespmem:s11], [sflag:$0x1] =	stream.indirect_vreg.gather [hbm4b:s5+s2], $0x80, v4, vm0, $0xb8;
	[tilespmem:$0x18080] =	vst v63  }
0x26: {  	_ = 	snop  }
0x27: {  	[tilespmem:s12], [sflag:$0x1] =	stream.indirect_vreg.gather [hbm4b:s3+s2], $0x80, v3, vm0, $0xb8;
	[tilespmem:$0x18080] =	vst v63  }
0x28: {  	_ = 	snop  }
0x29: {  	[tilespmem:s13], [sflag:$0x1] =	stream.indirect_vreg.gather [hbm4b:s4+s2], $0x80, v3, vm0, $0xb8;
	[tilespmem:$0x18080] =	vst v63  }
0x2a: {  	_ = 	snop  }
0x2b: {  	[tilespmem:s14], [sflag:$0x1] =	stream.indirect_vreg.gather [hbm4b:s5+s2], $0x80, v3, vm0, $0xb8;
	[tilespmem:$0x18080] =	vst v63  }
0x2c: {  	v3 =	vld [tilespmem:$0x10];
	_ =	sdelay $0x4  }
0x2d: {  	v49 =	vshrl.u32 v3, $0x3  }
0x2e: {  	v4 =	vmul.u32 $0x30, v49  }
0x2f: {  	v3 =	vand.u32 $0x7, v3  }
0x30: {  	v3 =	vor.u32 v3, v4  }
0x31: {  	v4 =	vperm.xlane v3, v0;
	_ =	sdelay $0x1  }
0x32: {  	v4 =	vadd.s32 v1, v4;
	_ =	sdelay $0x3  }
0x33: {  	v3 =	vperm.xlane v3, v2  }
0x34: {  	[tilespmem:s15], [sflag:$0x1] =	stream.indirect_vreg.gather [hbm4b:s3+s2], $0x80, v4, vm0, $0xb8;
	[tilespmem:$0x18080] =	vst v63  }
0x35: {  	v3 =	vadd.s32 v1, v3  }
0x36: {  	[tilespmem:s16], [sflag:$0x1] =	stream.indirect_vreg.gather [hbm4b:s4+s2], $0x80, v4, vm0, $0xb8;
	[tilespmem:$0x18080] =	vst v63  }
0x37: {  	_ = 	snop  }
0x38: {  	[tilespmem:s17], [sflag:$0x1] =	stream.indirect_vreg.gather [hbm4b:s5+s2], $0x80, v4, vm0, $0xb8;
	[tilespmem:$0x18080] =	vst v63  }
0x39: {  	_ = 	snop  }
0x3a: {  	[tilespmem:s18], [sflag:$0x1] =	stream.indirect_vreg.gather [hbm4b:s3+s2], $0x80, v3, vm0, $0xb8;
	[tilespmem:$0x18080] =	vst v63  }
0x3b: {  	_ = 	snop  }
0x3c: {  	[tilespmem:s19], [sflag:$0x1] =	stream.indirect_vreg.gather [hbm4b:s4+s2], $0x80, v3, vm0, $0xb8;
	[tilespmem:$0x18080] =	vst v63  }
0x3d: {  	_ = 	snop  }
0x3e: {  	[tilespmem:s20], [sflag:$0x1] =	stream.indirect_vreg.gather [hbm4b:s5+s2], $0x80, v3, vm0, $0xb8;
	[tilespmem:$0x18080] =	vst v63  }
0x3f: {  	v3 =	vld [tilespmem:$0x20];
	_ =	sdelay $0x4  }
0x40: {  	v50 =	vshrl.u32 v3, $0x3  }
0x41: {  	v4 =	vmul.u32 $0x30, v50  }
0x42: {  	v3 =	vand.u32 $0x7, v3  }
0x43: {  	v3 =	vor.u32 v3, v4  }
0x44: {  	v4 =	vperm.xlane v3, v0;
	_ =	sdelay $0x1  }
0x45: {  	v4 =	vadd.s32 v1, v4;
	_ =	sdelay $0x3  }
0x46: {  	v3 =	vperm.xlane v3, v2  }
0x47: {  	[tilespmem:s21], [sflag:$0x1] =	stream.indirect_vreg.gather [hbm4b:s3+s2], $0x80, v4, vm0, $0xb8;
	[tilespmem:$0x18080] =	vst v63  }
0x48: {  	v3 =	vadd.s32 v1, v3  }
0x49: {  	[tilespmem:s22], [sflag:$0x1] =	stream.indirect_vreg.gather [hbm4b:s4+s2], $0x80, v4, vm0, $0xb8;
	[tilespmem:$0x18080] =	vst v63  }
0x4a: {  	_ = 	snop  }
0x4b: {  	[tilespmem:s23], [sflag:$0x1] =	stream.indirect_vreg.gather [hbm4b:s5+s2], $0x80, v4, vm0, $0xb8;
	[tilespmem:$0x18080] =	vst v63  }
0x4c: {  	_ = 	snop  }
0x4d: {  	[tilespmem:s24], [sflag:$0x1] =	stream.indirect_vreg.gather [hbm4b:s3+s2], $0x80, v3, vm0, $0xb8;
	[tilespmem:$0x18080] =	vst v63  }
0x4e: {  	_ = 	snop  }
0x4f: {  	[tilespmem:s25], [sflag:$0x1] =	stream.indirect_vreg.gather [hbm4b:s4+s2], $0x80, v3, vm0, $0xb8;
	[tilespmem:$0x18080] =	vst v63  }
0x50: {  	_ = 	snop  }
0x51: {  	[tilespmem:s26], [sflag:$0x1] =	stream.indirect_vreg.gather [hbm4b:s5+s2], $0x80, v3, vm0, $0xb8;
	[tilespmem:$0x18080] =	vst v63  }
0x52: {  	v3 =	vld [tilespmem:$0x30];
	_ =	sdelay $0x4  }
0x53: {  	v51 =	vshrl.u32 v3, $0x3  }
0x54: {  	v4 =	vmul.u32 $0x30, v51  }
0x55: {  	v3 =	vand.u32 $0x7, v3  }
0x56: {  	v3 =	vor.u32 v3, v4  }
0x57: {  	v4 =	vperm.xlane v3, v0;
	_ =	sdelay $0x1  }
0x58: {  	v4 =	vadd.s32 v1, v4;
	_ =	sdelay $0x3  }
0x59: {  	v3 =	vperm.xlane v3, v2  }
0x5a: {  	[tilespmem:s28], [sflag:$0x1] =	stream.indirect_vreg.gather [hbm4b:s3+s2], $0x80, v4, vm0, $0xb8;
	[tilespmem:$0x18080] =	vst v63  }
0x5b: {  	v3 =	vadd.s32 v1, v3  }
0x5c: {  	[tilespmem:s29], [sflag:$0x1] =	stream.indirect_vreg.gather [hbm4b:s4+s2], $0x80, v4, vm0, $0xb8;
	[tilespmem:$0x18080] =	vst v63  }
0x5d: {  	_ = 	snop  }
0x5e: {  	[tilespmem:s30], [sflag:$0x1] =	stream.indirect_vreg.gather [hbm4b:s5+s2], $0x80, v4, vm0, $0xb8;
	[tilespmem:$0x18080] =	vst v63  }
0x5f: {  	_ = 	snop  }
0x60: {  	[tilespmem:s31], [sflag:$0x1] =	stream.indirect_vreg.gather [hbm4b:s3+s2], $0x80, v3, vm0, $0xb8;
	[tilespmem:$0x18080] =	vst v63  }
0x61: {  	s9 =	simm.s32 $0xB080  }
0x62: {  	[tilespmem:s9], [sflag:$0x1] =	stream.indirect_vreg.gather [hbm4b:s4+s2], $0x80, v3, vm0, $0xb8;
	[tilespmem:$0x18080] =	vst v63  }
0x63: {  	_ = 	snop  }
0x64: {  	[tilespmem:s8], [sflag:$0x1] =	stream.indirect_vreg.gather [hbm4b:s5+s2], $0x80, v3, vm0, $0xb8;
	[tilespmem:$0x18080] =	vst v63  }
0x65: {  	v3 =	vld [tilespmem:$0x40];
	_ =	sdelay $0x4  }
0x66: {  	v52 =	vshrl.u32 v3, $0x3  }
0x67: {  	v4 =	vmul.u32 $0x30, v52  }
0x68: {  	v3 =	vand.u32 $0x7, v3  }
0x69: {  	v3 =	vor.u32 v3, v4  }
0x6a: {  	v4 =	vperm.xlane v3, v0;
	_ =	sdelay $0x1  }
0x6b: {  	v4 =	vadd.s32 v1, v4;
	_ =	sdelay $0x3  }
0x6c: {  	s9 =	simm.s32 $0xC080;
	v3 =	vperm.xlane v3, v2  }
0x6d: {  	[tilespmem:s9], [sflag:$0x1] =	stream.indirect_vreg.gather [hbm4b:s3+s2], $0x80, v4, vm0, $0xb8;
	[tilespmem:$0x18080] =	vst v63  }
0x6e: {  	v3 =	vadd.s32 v1, v3;
	s9 =	simm.s32 $0xC880  }
0x6f: {  	[tilespmem:s9], [sflag:$0x1] =	stream.indirect_vreg.gather [hbm4b:s4+s2], $0x80, v4, vm0, $0xb8;
	[tilespmem:$0x18080] =	vst v63  }
0x70: {  	s9 =	simm.s32 $0xD080  }
0x71: {  	[tilespmem:s9], [sflag:$0x1] =	stream.indirect_vreg.gather [hbm4b:s5+s2], $0x80, v4, vm0, $0xb8;
	[tilespmem:$0x18080] =	vst v63  }
0x72: {  	s9 =	simm.s32 $0xD880  }
0x73: {  	[tilespmem:s9], [sflag:$0x1] =	stream.indirect_vreg.gather [hbm4b:s3+s2], $0x80, v3, vm0, $0xb8;
	[tilespmem:$0x18080] =	vst v63  }
0x74: {  	s9 =	simm.s32 $0xE080  }
0x75: {  	[tilespmem:s9], [sflag:$0x1] =	stream.indirect_vreg.gather [hbm4b:s4+s2], $0x80, v3, vm0, $0xb8;
	[tilespmem:$0x18080] =	vst v63  }
0x76: {  	s9 =	simm.s32 $0xE880  }
0x77: {  	[tilespmem:s9], [sflag:$0x1] =	stream.indirect_vreg.gather [hbm4b:s5+s2], $0x80, v3, vm0, $0xb8;
	[tilespmem:$0x18080] =	vst v63  }
0x78: {  	v3 =	vld [tilespmem:$0x50];
	_ =	sdelay $0x4  }
0x79: {  	v53 =	vshrl.u32 v3, $0x3  }
0x7a: {  	v4 =	vmul.u32 $0x30, v53  }
0x7b: {  	v3 =	vand.u32 $0x7, v3  }
0x7c: {  	v3 =	vor.u32 v3, v4  }
0x7d: {  	v4 =	vperm.xlane v3, v0;
	_ =	sdelay $0x1  }
0x7e: {  	v4 =	vadd.s32 v1, v4;
	_ =	sdelay $0x3  }
0x7f: {  	s9 =	simm.s32 $0xF080;
	v3 =	vperm.xlane v3, v2  }
0x80: {  	[tilespmem:s9], [sflag:$0x1] =	stream.indirect_vreg.gather [hbm4b:s3+s2], $0x80, v4, vm0, $0xb8;
	[tilespmem:$0x18080] =	vst v63  }
0x81: {  	v3 =	vadd.s32 v1, v3;
	s9 =	simm.s32 $0xF880  }
0x82: {  	[tilespmem:s9], [sflag:$0x1] =	stream.indirect_vreg.gather [hbm4b:s4+s2], $0x80, v4, vm0, $0xb8;
	[tilespmem:$0x18080] =	vst v63  }
0x83: {  	s9 =	simm.s32 $0x10080  }
0x84: {  	[tilespmem:s9], [sflag:$0x1] =	stream.indirect_vreg.gather [hbm4b:s5+s2], $0x80, v4, vm0, $0xb8;
	[tilespmem:$0x18080] =	vst v63  }
0x85: {  	s9 =	simm.s32 $0x10880  }
0x86: {  	[tilespmem:s9], [sflag:$0x1] =	stream.indirect_vreg.gather [hbm4b:s3+s2], $0x80, v3, vm0, $0xb8;
	[tilespmem:$0x18080] =	vst v63  }
0x87: {  	s9 =	simm.s32 $0x11080  }
0x88: {  	[tilespmem:s9], [sflag:$0x1] =	stream.indirect_vreg.gather [hbm4b:s4+s2], $0x80, v3, vm0, $0xb8;
	[tilespmem:$0x18080] =	vst v63  }
0x89: {  	s9 =	simm.s32 $0x11880  }
0x8a: {  	[tilespmem:s9], [sflag:$0x1] =	stream.indirect_vreg.gather [hbm4b:s5+s2], $0x80, v3, vm0, $0xb8;
	[tilespmem:$0x18080] =	vst v63  }
0x8b: {  	v3 =	vld [tilespmem:$0x60];
	_ =	sdelay $0x4  }
0x8c: {  	v54 =	vshrl.u32 v3, $0x3  }
0x8d: {  	v4 =	vmul.u32 $0x30, v54  }
0x8e: {  	v3 =	vand.u32 $0x7, v3  }
0x8f: {  	v3 =	vor.u32 v3, v4  }
0x90: {  	v4 =	vperm.xlane v3, v0;
	_ =	sdelay $0x1  }
0x91: {  	v4 =	vadd.s32 v1, v4;
	_ =	sdelay $0x3  }
0x92: {  	s9 =	simm.s32 $0x12080;
	v3 =	vperm.xlane v3, v2  }
0x93: {  	[tilespmem:s9], [sflag:$0x1] =	stream.indirect_vreg.gather [hbm4b:s3+s2], $0x80, v4, vm0, $0xb8;
	[tilespmem:$0x18080] =	vst v63  }
0x94: {  	v3 =	vadd.s32 v1, v3;
	s9 =	simm.s32 $0x12880  }
0x95: {  	[tilespmem:s9], [sflag:$0x1] =	stream.indirect_vreg.gather [hbm4b:s4+s2], $0x80, v4, vm0, $0xb8;
	[tilespmem:$0x18080] =	vst v63  }
0x96: {  	s9 =	simm.s32 $0x13080  }
0x97: {  	[tilespmem:s9], [sflag:$0x1] =	stream.indirect_vreg.gather [hbm4b:s5+s2], $0x80, v4, vm0, $0xb8;
	[tilespmem:$0x18080] =	vst v63  }
0x98: {  	s9 =	simm.s32 $0x13880  }
0x99: {  	[tilespmem:s9], [sflag:$0x1] =	stream.indirect_vreg.gather [hbm4b:s3+s2], $0x80, v3, vm0, $0xb8;
	[tilespmem:$0x18080] =	vst v63  }
0x9a: {  	s9 =	simm.s32 $0x14080  }
0x9b: {  	[tilespmem:s9], [sflag:$0x1] =	stream.indirect_vreg.gather [hbm4b:s4+s2], $0x80, v3, vm0, $0xb8;
	[tilespmem:$0x18080] =	vst v63  }
0x9c: {  	s9 =	simm.s32 $0x14880  }
0x9d: {  	[tilespmem:s9], [sflag:$0x1] =	stream.indirect_vreg.gather [hbm4b:s5+s2], $0x80, v3, vm0, $0xb8;
	[tilespmem:$0x18080] =	vst v63  }
0x9e: {  	v3 =	vld [tilespmem:$0x70];
	_ =	sdelay $0x4  }
0x9f: {  	v55 =	vshrl.u32 v3, $0x3  }
0xa0: {  	v4 =	vmul.u32 $0x30, v55  }
0xa1: {  	v3 =	vand.u32 $0x7, v3  }
0xa2: {  	v3 =	vor.u32 v3, v4  }
0xa3: {  	v4 =	vperm.xlane v3, v0;
	_ =	sdelay $0x1  }
0xa4: {  	v4 =	vadd.s32 v1, v4;
	_ =	sdelay $0x3  }
0xa5: {  	s9 =	simm.s32 $0x15080;
	v3 =	vperm.xlane v3, v2  }
0xa6: {  	[tilespmem:s9], [sflag:$0x1] =	stream.indirect_vreg.gather [hbm4b:s3+s2], $0x80, v4, vm0, $0xb8;
	[tilespmem:$0x18080] =	vst v63  }
0xa7: {  	v3 =	vadd.s32 v1, v3;
	s9 =	simm.s32 $0x15880  }
0xa8: {  	[tilespmem:s9], [sflag:$0x1] =	stream.indirect_vreg.gather [hbm4b:s4+s2], $0x80, v4, vm0, $0xb8;
	[tilespmem:$0x18080] =	vst v63  }
0xa9: {  	s9 =	simm.s32 $0x16080  }
0xaa: {  	[tilespmem:s9], [sflag:$0x1] =	stream.indirect_vreg.gather [hbm4b:s5+s2], $0x80, v4, vm0, $0xb8;
	[tilespmem:$0x18080] =	vst v63  }
0xab: {  	s9 =	simm.s32 $0x16880  }
0xac: {  	[tilespmem:s9], [sflag:$0x1] =	stream.indirect_vreg.gather [hbm4b:s3+s2], $0x80, v3, vm0, $0xb8;
	[tilespmem:$0x18080] =	vst v63  }
0xad: {  	s9 =	simm.s32 $0x17080  }
0xae: {  	[tilespmem:s9], [sflag:$0x1] =	stream.indirect_vreg.gather [hbm4b:s4+s2], $0x80, v3, vm0, $0xb8;
	[tilespmem:$0x18080] =	vst v63  }
0xaf: {  	s9 =	simm.s32 $0x17880  }
0xb0: {  	[tilespmem:s9], [sflag:$0x1] =	stream.indirect_vreg.gather [hbm4b:s5+s2], $0x80, v3, vm0, $0xb8;
	[tilespmem:$0x18080] =	vst v63  }
0xb1: {  	_ =	swait.ge [sflag:s1], $0x18000  }
0xb2: {  	[sflag:s1] =	ssyncset.done $0x0  }
0xb3: {  	s0 =	simm.s32 $0x80;
	s9 =	rddreg [dreg:$0x4];
	[sflag:s1] =	ssyncadd.s32 $0xFFFE8000  }
0xb4: {  	[hbm4b:s9+s2] =	stream.linear.scatter [tilespmem:s0], [sflag:$0x2], $0x18000, $0x38;
	[tilespmem:$0x18080] =	vst v63  }
0xb5: {  	_ =	swait.ge [sflag:s7], $0x18000  }
0xb6: {  	[sflag:s7] =	ssyncset.done $0x0  }
0xb7: {  	s9 =	rddreg [dreg:$0x5];
	[sflag:s7] =	ssyncadd.s32 $0xFFFE8000  }
0xb8: {  	[tilespmem:s2], [sflag:$0x2] =	stream.linear.gather [hbm4b:s9+s2], $0x80, $0x38;
	[tilespmem:$0x18080] =	vst v63  }
0xb9: {  	_ =	swait.ge [sflag:s7], $0x80  }
0xba: {  	[sflag:s7] =	ssyncset.done $0x0  }
0xbb: {  	[sflag:s7] =	ssyncadd.s32 $0xFFFFFF80  }
0xbc: {  	v3 =	vld [tilespmem:$0x0];
	_ =	sdelay $0x4  }
0xbd: {  	v56 =	vshrl.u32 v3, $0x3  }
0xbe: {  	v4 =	vmul.u32 $0x30, v56  }
0xbf: {  	v3 =	vand.u32 $0x7, v3  }
0xc0: {  	v3 =	vor.u32 v3, v4  }
0xc1: {  	v4 =	vperm.xlane v3, v0;
	_ =	sdelay $0x1  }
0xc2: {  	v4 =	vadd.s32 v1, v4;
	_ =	sdelay $0x3  }
0xc3: {  	v3 =	vperm.xlane v3, v2  }
0xc4: {  	[tilespmem:s0], [sflag:$0x1] =	stream.indirect_vreg.gather [hbm4b:s3+s2], $0x80, v4, vm0, $0xb8;
	[tilespmem:$0x18080] =	vst v63  }
0xc5: {  	v3 =	vadd.s32 v1, v3  }
0xc6: {  	[tilespmem:s10], [sflag:$0x1] =	stream.indirect_vreg.gather [hbm4b:s4+s2], $0x80, v4, vm0, $0xb8;
	[tilespmem:$0x18080] =	vst v63  }
0xc7: {  	_ = 	snop  }
0xc8: {  	[tilespmem:s11], [sflag:$0x1] =	stream.indirect_vreg.gather [hbm4b:s5+s2], $0x80, v4, vm0, $0xb8;
	[tilespmem:$0x18080] =	vst v63  }
0xc9: {  	_ = 	snop  }
0xca: {  	[tilespmem:s12], [sflag:$0x1] =	stream.indirect_vreg.gather [hbm4b:s3+s2], $0x80, v3, vm0, $0xb8;
	[tilespmem:$0x18080] =	vst v63  }
0xcb: {  	_ = 	snop  }
0xcc: {  	[tilespmem:s13], [sflag:$0x1] =	stream.indirect_vreg.gather [hbm4b:s4+s2], $0x80, v3, vm0, $0xb8;
	[tilespmem:$0x18080] =	vst v63  }
0xcd: {  	_ = 	snop  }
0xce: {  	[tilespmem:s14], [sflag:$0x1] =	stream.indirect_vreg.gather [hbm4b:s5+s2], $0x80, v3, vm0, $0xb8;
	[tilespmem:$0x18080] =	vst v63  }
0xcf: {  	v3 =	vld [tilespmem:$0x10];
	_ =	sdelay $0x4  }
0xd0: {  	v57 =	vshrl.u32 v3, $0x3  }
0xd1: {  	v4 =	vmul.u32 $0x30, v57  }
0xd2: {  	v3 =	vand.u32 $0x7, v3  }
0xd3: {  	v3 =	vor.u32 v3, v4  }
0xd4: {  	v4 =	vperm.xlane v3, v0;
	_ =	sdelay $0x1  }
0xd5: {  	v4 =	vadd.s32 v1, v4;
	_ =	sdelay $0x3  }
0xd6: {  	v3 =	vperm.xlane v3, v2  }
0xd7: {  	[tilespmem:s15], [sflag:$0x1] =	stream.indirect_vreg.gather [hbm4b:s3+s2], $0x80, v4, vm0, $0xb8;
	[tilespmem:$0x18080] =	vst v63  }
0xd8: {  	v3 =	vadd.s32 v1, v3  }
0xd9: {  	[tilespmem:s16], [sflag:$0x1] =	stream.indirect_vreg.gather [hbm4b:s4+s2], $0x80, v4, vm0, $0xb8;
	[tilespmem:$0x18080] =	vst v63  }
0xda: {  	_ = 	snop  }
0xdb: {  	[tilespmem:s17], [sflag:$0x1] =	stream.indirect_vreg.gather [hbm4b:s5+s2], $0x80, v4, vm0, $0xb8;
	[tilespmem:$0x18080] =	vst v63  }
0xdc: {  	_ = 	snop  }
0xdd: {  	[tilespmem:s18], [sflag:$0x1] =	stream.indirect_vreg.gather [hbm4b:s3+s2], $0x80, v3, vm0, $0xb8;
	[tilespmem:$0x18080] =	vst v63  }
0xde: {  	_ = 	snop  }
0xdf: {  	[tilespmem:s19], [sflag:$0x1] =	stream.indirect_vreg.gather [hbm4b:s4+s2], $0x80, v3, vm0, $0xb8;
	[tilespmem:$0x18080] =	vst v63  }
0xe0: {  	_ = 	snop  }
0xe1: {  	[tilespmem:s20], [sflag:$0x1] =	stream.indirect_vreg.gather [hbm4b:s5+s2], $0x80, v3, vm0, $0xb8;
	[tilespmem:$0x18080] =	vst v63  }
0xe2: {  	v3 =	vld [tilespmem:$0x20];
	_ =	sdelay $0x4  }
0xe3: {  	v58 =	vshrl.u32 v3, $0x3  }
0xe4: {  	v4 =	vmul.u32 $0x30, v58  }
0xe5: {  	v3 =	vand.u32 $0x7, v3  }
0xe6: {  	v3 =	vor.u32 v3, v4  }
0xe7: {  	v4 =	vperm.xlane v3, v0;
	_ =	sdelay $0x1  }
0xe8: {  	v4 =	vadd.s32 v1, v4;
	_ =	sdelay $0x3  }
0xe9: {  	v3 =	vperm.xlane v3, v2  }
0xea: {  	[tilespmem:s21], [sflag:$0x1] =	stream.indirect_vreg.gather [hbm4b:s3+s2], $0x80, v4, vm0, $0xb8;
	[tilespmem:$0x18080] =	vst v63  }
0xeb: {  	v3 =	vadd.s32 v1, v3  }
0xec: {  	[tilespmem:s22], [sflag:$0x1] =	stream.indirect_vreg.gather [hbm4b:s4+s2], $0x80, v4, vm0, $0xb8;
	[tilespmem:$0x18080] =	vst v63  }
0xed: {  	_ = 	snop  }
0xee: {  	[tilespmem:s23], [sflag:$0x1] =	stream.indirect_vreg.gather [hbm4b:s5+s2], $0x80, v4, vm0, $0xb8;
	[tilespmem:$0x18080] =	vst v63  }
0xef: {  	_ = 	snop  }
0xf0: {  	[tilespmem:s24], [sflag:$0x1] =	stream.indirect_vreg.gather [hbm4b:s3+s2], $0x80, v3, vm0, $0xb8;
	[tilespmem:$0x18080] =	vst v63  }
0xf1: {  	_ = 	snop  }
0xf2: {  	[tilespmem:s25], [sflag:$0x1] =	stream.indirect_vreg.gather [hbm4b:s4+s2], $0x80, v3, vm0, $0xb8;
	[tilespmem:$0x18080] =	vst v63  }
0xf3: {  	_ = 	snop  }
0xf4: {  	[tilespmem:s26], [sflag:$0x1] =	stream.indirect_vreg.gather [hbm4b:s5+s2], $0x80, v3, vm0, $0xb8;
	[tilespmem:$0x18080] =	vst v63  }
0xf5: {  	v3 =	vld [tilespmem:$0x30];
	_ =	sdelay $0x4  }
0xf6: {  	v59 =	vshrl.u32 v3, $0x3  }
0xf7: {  	v4 =	vmul.u32 $0x30, v59  }
0xf8: {  	v3 =	vand.u32 $0x7, v3  }
0xf9: {  	v3 =	vor.u32 v3, v4  }
0xfa: {  	v4 =	vperm.xlane v3, v0;
	_ =	sdelay $0x1  }
0xfb: {  	v4 =	vadd.s32 v1, v4;
	_ =	sdelay $0x3  }
0xfc: {  	v3 =	vperm.xlane v3, v2  }
0xfd: {  	[tilespmem:s28], [sflag:$0x1] =	stream.indirect_vreg.gather [hbm4b:s3+s2], $0x80, v4, vm0, $0xb8;
	[tilespmem:$0x18080] =	vst v63  }
0xfe: {  	v3 =	vadd.s32 v1, v3  }
0xff: {  	[tilespmem:s29], [sflag:$0x1] =	stream.indirect_vreg.gather [hbm4b:s4+s2], $0x80, v4, vm0, $0xb8;
	[tilespmem:$0x18080] =	vst v63  }
0x100: {  	_ = 	snop  }
0x101: {  	[tilespmem:s30], [sflag:$0x1] =	stream.indirect_vreg.gather [hbm4b:s5+s2], $0x80, v4, vm0, $0xb8;
	[tilespmem:$0x18080] =	vst v63  }
0x102: {  	_ = 	snop  }
0x103: {  	[tilespmem:s31], [sflag:$0x1] =	stream.indirect_vreg.gather [hbm4b:s3+s2], $0x80, v3, vm0, $0xb8;
	[tilespmem:$0x18080] =	vst v63  }
0x104: {  	s9 =	simm.s32 $0xB080  }
0x105: {  	[tilespmem:s9], [sflag:$0x1] =	stream.indirect_vreg.gather [hbm4b:s4+s2], $0x80, v3, vm0, $0xb8;
	[tilespmem:$0x18080] =	vst v63  }
0x106: {  	_ = 	snop  }
0x107: {  	[tilespmem:s8], [sflag:$0x1] =	stream.indirect_vreg.gather [hbm4b:s5+s2], $0x80, v3, vm0, $0xb8;
	[tilespmem:$0x18080] =	vst v63  }
0x108: {  	v3 =	vld [tilespmem:$0x40];
	_ =	sdelay $0x4  }
0x109: {  	v60 =	vshrl.u32 v3, $0x3  }
0x10a: {  	v4 =	vmul.u32 $0x30, v60  }
0x10b: {  	v3 =	vand.u32 $0x7, v3  }
0x10c: {  	v3 =	vor.u32 v3, v4  }
0x10d: {  	v4 =	vperm.xlane v3, v0;
	_ =	sdelay $0x1  }
0x10e: {  	v4 =	vadd.s32 v1, v4;
	_ =	sdelay $0x3  }
0x10f: {  	s9 =	simm.s32 $0xC080;
	v3 =	vperm.xlane v3, v2  }
0x110: {  	[tilespmem:s9], [sflag:$0x1] =	stream.indirect_vreg.gather [hbm4b:s3+s2], $0x80, v4, vm0, $0xb8;
	[tilespmem:$0x18080] =	vst v63  }
0x111: {  	v3 =	vadd.s32 v1, v3;
	s9 =	simm.s32 $0xC880  }
0x112: {  	[tilespmem:s9], [sflag:$0x1] =	stream.indirect_vreg.gather [hbm4b:s4+s2], $0x80, v4, vm0, $0xb8;
	[tilespmem:$0x18080] =	vst v63  }
0x113: {  	s9 =	simm.s32 $0xD080  }
0x114: {  	[tilespmem:s9], [sflag:$0x1] =	stream.indirect_vreg.gather [hbm4b:s5+s2], $0x80, v4, vm0, $0xb8;
	[tilespmem:$0x18080] =	vst v63  }
0x115: {  	s9 =	simm.s32 $0xD880  }
0x116: {  	[tilespmem:s9], [sflag:$0x1] =	stream.indirect_vreg.gather [hbm4b:s3+s2], $0x80, v3, vm0, $0xb8;
	[tilespmem:$0x18080] =	vst v63  }
0x117: {  	s9 =	simm.s32 $0xE080  }
0x118: {  	[tilespmem:s9], [sflag:$0x1] =	stream.indirect_vreg.gather [hbm4b:s4+s2], $0x80, v3, vm0, $0xb8;
	[tilespmem:$0x18080] =	vst v63  }
0x119: {  	s9 =	simm.s32 $0xE880  }
0x11a: {  	[tilespmem:s9], [sflag:$0x1] =	stream.indirect_vreg.gather [hbm4b:s5+s2], $0x80, v3, vm0, $0xb8;
	[tilespmem:$0x18080] =	vst v63  }
0x11b: {  	v3 =	vld [tilespmem:$0x50];
	_ =	sdelay $0x4  }
0x11c: {  	v61 =	vshrl.u32 v3, $0x3  }
0x11d: {  	v4 =	vmul.u32 $0x30, v61  }
0x11e: {  	v3 =	vand.u32 $0x7, v3  }
0x11f: {  	v3 =	vor.u32 v3, v4  }
0x120: {  	v4 =	vperm.xlane v3, v0;
	_ =	sdelay $0x1  }
0x121: {  	v4 =	vadd.s32 v1, v4;
	_ =	sdelay $0x3  }
0x122: {  	s9 =	simm.s32 $0xF080;
	v3 =	vperm.xlane v3, v2  }
0x123: {  	[tilespmem:s9], [sflag:$0x1] =	stream.indirect_vreg.gather [hbm4b:s3+s2], $0x80, v4, vm0, $0xb8;
	[tilespmem:$0x18080] =	vst v63  }
0x124: {  	v3 =	vadd.s32 v1, v3;
	s9 =	simm.s32 $0xF880  }
0x125: {  	[tilespmem:s9], [sflag:$0x1] =	stream.indirect_vreg.gather [hbm4b:s4+s2], $0x80, v4, vm0, $0xb8;
	[tilespmem:$0x18080] =	vst v63  }
0x126: {  	s9 =	simm.s32 $0x10080  }
0x127: {  	[tilespmem:s9], [sflag:$0x1] =	stream.indirect_vreg.gather [hbm4b:s5+s2], $0x80, v4, vm0, $0xb8;
	[tilespmem:$0x18080] =	vst v63  }
0x128: {  	s9 =	simm.s32 $0x10880  }
0x129: {  	[tilespmem:s9], [sflag:$0x1] =	stream.indirect_vreg.gather [hbm4b:s3+s2], $0x80, v3, vm0, $0xb8;
	[tilespmem:$0x18080] =	vst v63  }
0x12a: {  	s9 =	simm.s32 $0x11080  }
0x12b: {  	[tilespmem:s9], [sflag:$0x1] =	stream.indirect_vreg.gather [hbm4b:s4+s2], $0x80, v3, vm0, $0xb8;
	[tilespmem:$0x18080] =	vst v63  }
0x12c: {  	s9 =	simm.s32 $0x11880  }
0x12d: {  	[tilespmem:s9], [sflag:$0x1] =	stream.indirect_vreg.gather [hbm4b:s5+s2], $0x80, v3, vm0, $0xb8;
	[tilespmem:$0x18080] =	vst v63  }
0x12e: {  	v3 =	vld [tilespmem:$0x60];
	_ =	sdelay $0x4  }
0x12f: {  	v62 =	vshrl.u32 v3, $0x3  }
0x130: {  	v4 =	vmul.u32 $0x30, v62  }
0x131: {  	v3 =	vand.u32 $0x7, v3  }
0x132: {  	v3 =	vor.u32 v3, v4  }
0x133: {  	v4 =	vperm.xlane v3, v0;
	_ =	sdelay $0x1  }
0x134: {  	v4 =	vadd.s32 v1, v4;
	_ =	sdelay $0x3  }
0x135: {  	s9 =	simm.s32 $0x12080;
	v3 =	vperm.xlane v3, v2  }
0x136: {  	[tilespmem:s9], [sflag:$0x1] =	stream.indirect_vreg.gather [hbm4b:s3+s2], $0x80, v4, vm0, $0xb8;
	[tilespmem:$0x18080] =	vst v63  }
0x137: {  	v3 =	vadd.s32 v1, v3;
	s9 =	simm.s32 $0x12880  }
0x138: {  	[tilespmem:s9], [sflag:$0x1] =	stream.indirect_vreg.gather [hbm4b:s4+s2], $0x80, v4, vm0, $0xb8;
	[tilespmem:$0x18080] =	vst v63  }
0x139: {  	s9 =	simm.s32 $0x13080  }
0x13a: {  	[tilespmem:s9], [sflag:$0x1] =	stream.indirect_vreg.gather [hbm4b:s5+s2], $0x80, v4, vm0, $0xb8;
	[tilespmem:$0x18080] =	vst v63  }
0x13b: {  	s9 =	simm.s32 $0x13880  }
0x13c: {  	[tilespmem:s9], [sflag:$0x1] =	stream.indirect_vreg.gather [hbm4b:s3+s2], $0x80, v3, vm0, $0xb8;
	[tilespmem:$0x18080] =	vst v63  }
0x13d: {  	s9 =	simm.s32 $0x14080  }
0x13e: {  	[tilespmem:s9], [sflag:$0x1] =	stream.indirect_vreg.gather [hbm4b:s4+s2], $0x80, v3, vm0, $0xb8;
	[tilespmem:$0x18080] =	vst v63  }
0x13f: {  	s9 =	simm.s32 $0x14880  }
0x140: {  	[tilespmem:s9], [sflag:$0x1] =	stream.indirect_vreg.gather [hbm4b:s5+s2], $0x80, v3, vm0, $0xb8;
	[tilespmem:$0x18080] =	vst v63  }
0x141: {  	v3 =	vld [tilespmem:$0x70];
	_ =	sdelay $0x4  }
0x142: {  	v63 =	vshrl.u32 v3, $0x3  }
0x143: {  	v4 =	vmul.u32 $0x30, v63  }
0x144: {  	v3 =	vand.u32 $0x7, v3  }
0x145: {  	v3 =	vor.u32 v3, v4  }
0x146: {  	v4 =	vperm.xlane v3, v0;
	_ =	sdelay $0x1  }
0x147: {  	v4 =	vadd.s32 v1, v4;
	_ =	sdelay $0x3  }
0x148: {  	s9 =	simm.s32 $0x15080;
	v3 =	vperm.xlane v3, v2  }
0x149: {  	[tilespmem:s9], [sflag:$0x1] =	stream.indirect_vreg.gather [hbm4b:s3+s2], $0x80, v4, vm0, $0xb8;
	[tilespmem:$0x18080] =	vst v63  }
0x14a: {  	v3 =	vadd.s32 v1, v3;
	s9 =	simm.s32 $0x15880  }
0x14b: {  	[tilespmem:s9], [sflag:$0x1] =	stream.indirect_vreg.gather [hbm4b:s4+s2], $0x80, v4, vm0, $0xb8;
	[tilespmem:$0x18080] =	vst v63  }
0x14c: {  	s9 =	simm.s32 $0x16080  }
0x14d: {  	[tilespmem:s9], [sflag:$0x1] =	stream.indirect_vreg.gather [hbm4b:s5+s2], $0x80, v4, vm0, $0xb8;
	[tilespmem:$0x18080] =	vst v63  }
0x14e: {  	s9 =	simm.s32 $0x16880  }
0x14f: {  	[tilespmem:s9], [sflag:$0x1] =	stream.indirect_vreg.gather [hbm4b:s3+s2], $0x80, v3, vm0, $0xb8;
	[tilespmem:$0x18080] =	vst v63  }
0x150: {  	s9 =	simm.s32 $0x17080  }
0x151: {  	[tilespmem:s9], [sflag:$0x1] =	stream.indirect_vreg.gather [hbm4b:s4+s2], $0x80, v3, vm0, $0xb8;
	[tilespmem:$0x18080] =	vst v63  }
0x152: {  	s9 =	simm.s32 $0x17880  }
0x153: {  	[tilespmem:s9], [sflag:$0x1] =	stream.indirect_vreg.gather [hbm4b:s5+s2], $0x80, v3, vm0, $0xb8;
	[tilespmem:$0x18080] =	vst v63  }
0x154: {  	_ =	swait.ge [sflag:s1], $0x18000  }
0x155: {  	p0 =	sne.s32 s6, $0x1;
	s0 =	simm.s32 $0x80;
	[sflag:s1] =	ssyncset.done $0x0  }
.Ltmp0:
0x156: {  	s9 =	rddreg [dreg:$0x6];
	[sflag:s1] =	ssyncadd.s32 $0xFFFE8000;
	(pc) =	sbr.rel @p0 .LBB2_1-.Ltmp0, $4  }
0x157: {  	[hbm4b:s9+s2] =	stream.linear.scatter [tilespmem:s0], [sflag:$0x2], $0x18000, $0x38;
	[tilespmem:$0x18080] =	vst v63  }
0x158: {  	_ =	swait.ge [sflag:s7], $0x18000  }
0x159: {  	[sflag:s7] =	ssyncset.done $0x0  }
0x15a: {  	s6 =	sadd.s32 $0xFFFFFFFF, s6;
	[sflag:s7] =	ssyncadd.s32 $0xFFFE8000  }
0x15b: {  	_ =	sfence.sel $0x180000  }
0x15c: {  	[bflag:$0x0] =	sbarrier.arrive $0xFFFF  }
0x15d: {  	_ =	strace $0x9000004A  }
0x15e: {  	s0 =	stileid.u32;
	[bflag:$0x2] =	sbarrier.arrive $0xFFFF  }
0x15f: {  	p0 =	sne.s32 s0, $0x0;
	s0 =	rddreg [dreg:$0x2]  }
0x160: {  	s0 =	sadd.s32 @!p0 $0x100000, s0  }
0x161: {  	[sflag:s0] =	ssyncadd.tile.s32 @!p0 $0x1;
	_ =	shalt  }
.Lfunc_end2:
_tile_overlayer_lowered:
.L_overlay_start_2:
0x162: {  	(tag) =	ssettag $0x2  }
0x163: {  	s0 =	rddreg [dreg:$0x0];
	s2 =	stileid.u32  }
0x164: {  	s1 =	rddreg [dreg:$0x1];
	p0 =	sne.s32 s2, $0x0  }
0x165: {  	s3 =	rddreg [dreg:$0x2];
	[bflag:$0x3] =	sbarrier.arrive $0xFFFF;
	s2 =	simm.s32 @!p0 $0x1C02  }
0x166: {  	[timem:s3], [sflag:s2] =	dma.local @!p0 [hbm:s0], s1  }
0x167: {  	s0 =	simm.s32 @!p0 $0x2  }
0x168: {  	_ =	swait.ge @!p0 [sflag:s0], s1  }
0x169: {  	s1 =	ssub.s32 @!p0 $0x0, s1;
	[sflag:s0] =	ssyncset.done @!p0 $0x0  }
0x16a: {  	[sflag:s0] =	ssyncadd.s32 @!p0 s1  }
0x16b: {  	[bflag:$0x3] =	sbarrier.arrive $0xFFFF  }
0x16c: {  	_ =	shalt  }

</sc_bundles>
